<compile_context>
chip_gen: v7x
topology: tpu7x:2x2x1
jax: 0.10.2.dev20260603
libtpu: 0.0.44.dev20260713+nightly
codegen_flags: <defaults>
</compile_context>

<pallas_src>
import jax
import jax.numpy as jnp
from jax import lax
from jax.experimental import pallas as pl
from jax.experimental.pallas import tpu as pltpu
from jax.experimental.pallas import tpu_sc as plsc

N = 10000
E = 320000
D = 128

NC = 2
NS = 16
NW = NC * NS

B = 128
CH = 80
E_PAD = NW * CH * B
G = 16
NG = CH // G

N_PAD = 10112
ROWS_PER_WRITER = N_PAD // NS


def _sc_aggregate_body(x_hbm, src_hbm, dst_hbm, out_hbm,
                       src_v, dst_v, rows_a, rows_b, acc,
                       gsem_a, gsem_b, ssem_a, ssem_b, isem_a, isem_b):
    cid = lax.axis_index("c")
    sid = lax.axis_index("s")
    wid = cid * NS + sid

    row0 = sid * ROWS_PER_WRITER

    zv = jnp.zeros((16,), jnp.float32)

    def _zero_row(r, _):
        for k in range(D // 16):
            rows_a[r, pl.ds(k * 16, 16)] = zv
        return ()

    lax.fori_loop(0, B, _zero_row, (), unroll=False)
    nfull = ROWS_PER_WRITER // B
    rem = ROWS_PER_WRITER - nfull * B
    for i in range(nfull):
        pltpu.sync_copy(rows_a, acc.at[pl.ds(row0 + i * B, B)])
    if rem:
        pltpu.sync_copy(rows_a.at[pl.ds(0, rem)],
                        acc.at[pl.ds(row0 + nfull * B, rem)])
    plsc.subcore_barrier()

    rows = (rows_a, rows_b)
    gsems = (gsem_a, gsem_b)
    ssems = (ssem_a, ssem_b)

    def stage_idx(g, slot):
        pltpu.async_copy(src_hbm.at[wid, pl.ds(g * G, G)], src_v.at[slot],
                         isem_a)
        pltpu.async_copy(dst_hbm.at[wid, pl.ds(g * G, G)], dst_v.at[slot],
                         isem_b)

    def wait_idx(g, slot):
        pltpu.make_async_copy(src_hbm.at[wid, pl.ds(g * G, G)],
                              src_v.at[slot], isem_a).wait()
        pltpu.make_async_copy(dst_hbm.at[wid, pl.ds(g * G, G)],
                              dst_v.at[slot], isem_b).wait()

    def gather_start(slot, j, buf):
        pltpu.async_copy(x_hbm.at[src_v.at[slot, j]], rows[buf], gsems[buf])

    def gather_wait(slot, j, buf):
        pltpu.make_async_copy(x_hbm.at[src_v.at[slot, j]], rows[buf],
                              gsems[buf]).wait()

    def scatter_start(slot, j, buf):
        pltpu.async_copy(rows[buf], acc.at[dst_v.at[slot, j]],
                         ssems[buf], add=True)

    def scatter_wait(slot, j, buf):
        pltpu.make_async_copy(rows[buf], acc.at[dst_v.at[slot, j]],
                              ssems[buf]).wait()

    stage_idx(0, 0)
    wait_idx(0, 0)
    gather_start(0, 0, 0)

    def group(g, _):
        slot = g % 2
        oslot = 1 - slot

        for j in range(G):
            par = (j + 1) % 2
            if j == 0:
                @pl.when(g >= 1)
                def _drain_prev_group():
                    scatter_wait(oslot, G - 1, par)
                gather_start(slot, 1, par)
            elif j == 1:
                @pl.when(g + 1 < NG)
                def _stage_next():
                    stage_idx(g + 1, oslot)
                scatter_wait(slot, 0, par)
                gather_start(slot, 2, par)
            elif j + 1 < G:
                scatter_wait(slot, j - 1, par)
                gather_start(slot, j + 1, par)
            else:
                @pl.when(g + 1 < NG)
                def _prefetch_group():
                    scatter_wait(slot, G - 2, par)
                    wait_idx(g + 1, oslot)
                    gather_start(oslot, 0, par)
            gather_wait(slot, j, j % 2)
            scatter_start(slot, j, j % 2)
        return ()

    lax.fori_loop(0, NG, group, (), unroll=False)

    scatter_wait((NG - 1) % 2, G - 2, (G - 2) % 2)
    scatter_wait((NG - 1) % 2, G - 1, (G - 1) % 2)

    plsc.subcore_barrier()
    pltpu.sync_copy(acc.at[pl.ds(row0, ROWS_PER_WRITER)],
                    out_hbm.at[cid, pl.ds(row0, ROWS_PER_WRITER)])


@jax.jit
def _sc_aggregate(x, src_p, dst_p):
    mesh = plsc.VectorSubcoreMesh(core_axis_name="c", subcore_axis_name="s")
    return pl.kernel(
        _sc_aggregate_body,
        out_type=jax.ShapeDtypeStruct((NC, N_PAD, D), jnp.float32),
        mesh=mesh,
        scratch_types=[
            pltpu.VMEM((2, G, B), jnp.int32),
            pltpu.VMEM((2, G, B), jnp.int32),
            pltpu.VMEM((B, D), jnp.float32),
            pltpu.VMEM((B, D), jnp.float32),
            pltpu.VMEM_SHARED((N_PAD, D), jnp.float32),
            pltpu.SemaphoreType.DMA,
            pltpu.SemaphoreType.DMA,
            pltpu.SemaphoreType.DMA,
            pltpu.SemaphoreType.DMA,
            pltpu.SemaphoreType.DMA,
            pltpu.SemaphoreType.DMA,
        ],
    )(x, src_p, dst_p)


def _tc_combine_body(p_ref, w_ref, b_ref, o_ref):
    s = p_ref[0] + p_ref[1]
    y = jnp.dot(s, w_ref[...], preferred_element_type=jnp.float32)
    o_ref[...] = jnp.maximum(y + b_ref[...], 0.0)


BM = 5000


@jax.jit
def _tc_combine(partials, weight, bias2d):
    return pl.pallas_call(
        _tc_combine_body,
        grid=(N // BM,),
        in_specs=[
            pl.BlockSpec((NC, BM, D), lambda i: (0, i, 0)),
            pl.BlockSpec((D, D), lambda i: (0, 0)),
            pl.BlockSpec((1, D), lambda i: (0, 0)),
        ],
        out_specs=pl.BlockSpec((BM, D), lambda i: (i, 0)),
        out_shape=jax.ShapeDtypeStruct((N, D), jnp.float32),
    )(partials, weight, bias2d)


def kernel(adj, x, weight, bias):
    dst = adj[0]
    src = adj[1]
    pad = E_PAD - E
    pad_iota = jnp.arange(pad, dtype=jnp.int32)
    src_p = jnp.concatenate([src, pad_iota % N]).reshape(NW, CH, B)
    dst_p = jnp.concatenate([dst, N + pad_iota % (N_PAD - N)]).reshape(NW, CH, B)

    partials = _sc_aggregate(x, src_p, dst_p)
    return _tc_combine(partials, weight, bias.reshape(1, D))

# --- scband reference (transcript-rebuilt; emitter-appended) ---
"""Pipeline reference for scband-gcnlayer-58703613001792 (READ-ONLY COPY).

The authoritative reference and input builder live on the scoring server;
editing this copy changes nothing except your own understanding.
"""

import jax, jax.numpy as jnp
import numpy as np

N = 10000
E = 320000
D_IN = 128
D_OUT = 128  # heads(1) * out_channels(128)


def setup_inputs(seed: int = 0) -> dict:
    key = jax.random.key(seed)
    k1, k2, k3 = jax.random.split(key, 3)
    x = jax.random.normal(k1, (N, D_IN), dtype=jnp.float32)
    # adj is represented as edge_index [2, E]: row 0 = dst (adj row), row 1 = src (adj col), values = 1.0
    adj = jax.random.randint(k2, (2, E), 0, N, dtype=jnp.int32)
    # xavier_uniform init for weight, zeros for bias (per reset_parameters)
    limit = float(np.sqrt(6.0 / (D_IN + D_OUT)))
    weight = jax.random.uniform(k3, (D_IN, D_OUT), dtype=jnp.float32, minval=-limit, maxval=limit)
    bias = jnp.zeros((D_OUT,), dtype=jnp.float32)
    return {"adj": adj, "x": x, "weight": weight, "bias": bias}


def reference(adj, x, weight, bias):
    # support = x @ W  (dense matmul)
    support = jnp.dot(x, weight)
    # output = spmm(adj, support): gather rows by src, scatter-add into dst
    dst = adj[0]
    src = adj[1]
    msgs = jnp.take(support, src, axis=0)
    output = jax.ops.segment_sum(msgs, dst, num_segments=N)
    output = output + bias
    return jax.nn.relu(output)

if __name__ == "__main__":
    import jax
    _d = setup_inputs()
    print(jax.jit(kernel)(*tuple(_d.values())))

</pallas_src>

<mosaic_0001>
#map = affine_map<(d0, d1) -> (0, 0)>
#map1 = affine_map<(d0, d1) -> (0, 0, 0)>
module attributes {stable_mosaic.version = 14 : i64} {
  func.func @_sc_aggregate_body(%arg0: i32, %arg1: i32, %arg2: memref<10000x128xf32, #tpu.memory_space<hbm>>, %arg3: memref<32x80x128xi32, #tpu.memory_space<hbm>>, %arg4: memref<32x80x128xi32, #tpu.memory_space<hbm>>, %arg5: memref<2x10112x128xf32, #tpu.memory_space<hbm>>, %arg6: memref<2x16x128xi32, #tpu.memory_space<vmem>>, %arg7: memref<2x16x128xi32, #tpu.memory_space<vmem>>, %arg8: memref<128x128xf32, #tpu.memory_space<vmem>>, %arg9: memref<128x128xf32, #tpu.memory_space<vmem>>, %arg10: memref<10112x128xf32, #tpu.memory_space<vmem_shared>>, %arg11: memref<!tpu.dma_semaphore, #tpu.memory_space<semaphore_mem>>, %arg12: memref<!tpu.dma_semaphore, #tpu.memory_space<semaphore_mem>>, %arg13: memref<!tpu.dma_semaphore, #tpu.memory_space<semaphore_mem>>, %arg14: memref<!tpu.dma_semaphore, #tpu.memory_space<semaphore_mem>>, %arg15: memref<!tpu.dma_semaphore, #tpu.memory_space<semaphore_mem>>, %arg16: memref<!tpu.dma_semaphore, #tpu.memory_space<semaphore_mem>>) attributes {dimension_semantics = [#tpu.dimension_semantics<core_parallel>, #tpu.dimension_semantics<subcore_parallel>], iteration_bounds = array<i64: 2, 16>, scalar_prefetch = 0 : i64, scratch_operands = 11 : i64, tpu.core_type = #tpu.core_type<sc_vector_subcore>, window_params = [{transform_indices = #map}, {transform_indices = #map1}, {transform_indices = #map1}, {transform_indices = #map1}]} {
    %mul3A = arith.constant 16 : i32
    %mul3A_0 = arith.muli %arg0, %mul3A : i32
    %add3A = arith.addi %mul3A_0, %arg1 : i32
    %mul3A_1 = arith.constant 632 : i32
    %mul3A_2 = arith.muli %arg1, %mul3A_1 : i32
    %broadcast_in_dim3A = arith.constant 0.000000e+00 : f32
    %broadcast_in_dim3A_3 = vector.broadcast %broadcast_in_dim3A : f32 to vector<16xf32>
    %scan3A = arith.constant 0 : i32
    %scan3A_4 = arith.constant 128 : i32
    %scan3A_5 = arith.addi %scan3A, %scan3A_4 : i32
    %scan3A_6 = arith.constant 1 : i32
    scf.for %scan3A_114 = %scan3A to %scan3A_5 step %scan3A_6  : i32 {
      %swap3A = arith.index_cast %scan3A_114 : i32 to index
      %swap3A_115 = arith.constant 0 : index
      %swap3A_116 = tpu.vector_load %arg8[%swap3A, %swap3A_115] {strides = array<i32>} : memref<128x128xf32, #tpu.memory_space<vmem>>, vector<1x16xf32>,
      %swap3A_117 = vector.shape_cast %swap3A_116 : vector<1x16xf32> to vector<16xf32>
      %swap3A_118 = vector.shape_cast %broadcast_in_dim3A_3 : vector<16xf32> to vector<1x16xf32>
      tpu.vector_store %arg8[%swap3A, %swap3A_115], %swap3A_118 {strides = array<i32>} : memref<128x128xf32, #tpu.memory_space<vmem>>, vector<1x16xf32>,
      %swap3A_119 = arith.index_cast %scan3A_114 : i32 to index
      %swap3A_120 = arith.constant 16 : index
      %swap3A_121 = tpu.vector_load %arg8[%swap3A_119, %swap3A_120] {strides = array<i32>} : memref<128x128xf32, #tpu.memory_space<vmem>>, vector<1x16xf32>,
      %swap3A_122 = vector.shape_cast %swap3A_121 : vector<1x16xf32> to vector<16xf32>
      %swap3A_123 = vector.shape_cast %broadcast_in_dim3A_3 : vector<16xf32> to vector<1x16xf32>
      tpu.vector_store %arg8[%swap3A_119, %swap3A_120], %swap3A_123 {strides = array<i32>} : memref<128x128xf32, #tpu.memory_space<vmem>>, vector<1x16xf32>,
      %swap3A_124 = arith.index_cast %scan3A_114 : i32 to index
      %swap3A_125 = arith.constant 32 : index
      %swap3A_126 = tpu.vector_load %arg8[%swap3A_124, %swap3A_125] {strides = array<i32>} : memref<128x128xf32, #tpu.memory_space<vmem>>, vector<1x16xf32>,
      %swap3A_127 = vector.shape_cast %swap3A_126 : vector<1x16xf32> to vector<16xf32>
      %swap3A_128 = vector.shape_cast %broadcast_in_dim3A_3 : vector<16xf32> to vector<1x16xf32>
      tpu.vector_store %arg8[%swap3A_124, %swap3A_125], %swap3A_128 {strides = array<i32>} : memref<128x128xf32, #tpu.memory_space<vmem>>, vector<1x16xf32>,
      %swap3A_129 = arith.index_cast %scan3A_114 : i32 to index
      %swap3A_130 = arith.constant 48 : index
      %swap3A_131 = tpu.vector_load %arg8[%swap3A_129, %swap3A_130] {strides = array<i32>} : memref<128x128xf32, #tpu.memory_space<vmem>>, vector<1x16xf32>,
      %swap3A_132 = vector.shape_cast %swap3A_131 : vector<1x16xf32> to vector<16xf32>
      %swap3A_133 = vector.shape_cast %broadcast_in_dim3A_3 : vector<16xf32> to vector<1x16xf32>
      tpu.vector_store %arg8[%swap3A_129, %swap3A_130], %swap3A_133 {strides = array<i32>} : memref<128x128xf32, #tpu.memory_space<vmem>>, vector<1x16xf32>,
      %swap3A_134 = arith.index_cast %scan3A_114 : i32 to index
      %swap3A_135 = arith.constant 64 : index
      %swap3A_136 = tpu.vector_load %arg8[%swap3A_134, %swap3A_135] {strides = array<i32>} : memref<128x128xf32, #tpu.memory_space<vmem>>, vector<1x16xf32>,
      %swap3A_137 = vector.shape_cast %swap3A_136 : vector<1x16xf32> to vector<16xf32>
      %swap3A_138 = vector.shape_cast %broadcast_in_dim3A_3 : vector<16xf32> to vector<1x16xf32>
      tpu.vector_store %arg8[%swap3A_134, %swap3A_135], %swap3A_138 {strides = array<i32>} : memref<128x128xf32, #tpu.memory_space<vmem>>, vector<1x16xf32>,
      %swap3A_139 = arith.index_cast %scan3A_114 : i32 to index
      %swap3A_140 = arith.constant 80 : index
      %swap3A_141 = tpu.vector_load %arg8[%swap3A_139, %swap3A_140] {strides = array<i32>} : memref<128x128xf32, #tpu.memory_space<vmem>>, vector<1x16xf32>,
      %swap3A_142 = vector.shape_cast %swap3A_141 : vector<1x16xf32> to vector<16xf32>
      %swap3A_143 = vector.shape_cast %broadcast_in_dim3A_3 : vector<16xf32> to vector<1x16xf32>
      tpu.vector_store %arg8[%swap3A_139, %swap3A_140], %swap3A_143 {strides = array<i32>} : memref<128x128xf32, #tpu.memory_space<vmem>>, vector<1x16xf32>,
      %swap3A_144 = arith.index_cast %scan3A_114 : i32 to index
      %swap3A_145 = arith.constant 96 : index
      %swap3A_146 = tpu.vector_load %arg8[%swap3A_144, %swap3A_145] {strides = array<i32>} : memref<128x128xf32, #tpu.memory_space<vmem>>, vector<1x16xf32>,
      %swap3A_147 = vector.shape_cast %swap3A_146 : vector<1x16xf32> to vector<16xf32>
      %swap3A_148 = vector.shape_cast %broadcast_in_dim3A_3 : vector<16xf32> to vector<1x16xf32>
      tpu.vector_store %arg8[%swap3A_144, %swap3A_145], %swap3A_148 {strides = array<i32>} : memref<128x128xf32, #tpu.memory_space<vmem>>, vector<1x16xf32>,
      %swap3A_149 = arith.index_cast %scan3A_114 : i32 to index
      %swap3A_150 = arith.constant 112 : index
      %swap3A_151 = tpu.vector_load %arg8[%swap3A_149, %swap3A_150] {strides = array<i32>} : memref<128x128xf32, #tpu.memory_space<vmem>>, vector<1x16xf32>,
      %swap3A_152 = vector.shape_cast %swap3A_151 : vector<1x16xf32> to vector<16xf32>
      %swap3A_153 = vector.shape_cast %broadcast_in_dim3A_3 : vector<16xf32> to vector<1x16xf32>
      tpu.vector_store %arg8[%swap3A_149, %swap3A_150], %swap3A_153 {strides = array<i32>} : memref<128x128xf32, #tpu.memory_space<vmem>>, vector<1x16xf32>,
    }
    %scan3A_7 = arith.constant 128 : i32
    %add3A_8 = arith.constant 0 : i32
    %add3A_9 = arith.addi %mul3A_2, %add3A_8 : i32
    "tpu.region"() ({
      %run_scoped3A = tpu.sem_alloc : memref<!tpu.dma_semaphore, #tpu.memory_space<semaphore_mem>>
      %dma_start3A_114 = arith.constant 0 : i32
      %dma_start3A_115 = tpu.memref_slice %arg10[%add3A_9, %dma_start3A_114] : memref<10112x128xf32, #tpu.memory_space<vmem_shared>> -> memref<128x128xf32, #tpu.memory_space<vmem_shared>>
      %dma_start3A_116 = arith.constant 0 : i32
      %dma_start3A_117 = tpu.memref_slice %arg10[%add3A_9, %dma_start3A_116] : memref<10112x128xf32, #tpu.memory_space<vmem_shared>> -> memref<128x128xf32, #tpu.memory_space<vmem_shared>>
      tpu.enqueue_dma source(%arg8 : memref<128x128xf32, #tpu.memory_space<vmem>>) target(%dma_start3A_117 : memref<128x128xf32, #tpu.memory_space<vmem_shared>>) target_semaphore(%run_scoped3A : memref<!tpu.dma_semaphore, #tpu.memory_space<semaphore_mem>>)
      %dma_wait3A_118 = arith.constant 0 : i32
      %dma_wait3A_119 = tpu.memref_slice %arg10[%add3A_9, %dma_wait3A_118] : memref<10112x128xf32, #tpu.memory_space<vmem_shared>> -> memref<128x128xf32, #tpu.memory_space<vmem_shared>>
      %dma_wait3A_120 = arith.constant 0 : i32
      %dma_wait3A_121 = tpu.memref_slice %arg10[%add3A_9, %dma_wait3A_120] : memref<10112x128xf32, #tpu.memory_space<vmem_shared>> -> memref<128x128xf32, #tpu.memory_space<vmem_shared>>
      tpu.wait_dma2 semaphore(%run_scoped3A : memref<!tpu.dma_semaphore, #tpu.memory_space<semaphore_mem>>) src(%arg8 : memref<128x128xf32, #tpu.memory_space<vmem>>) dst(%dma_wait3A_121 : memref<128x128xf32, #tpu.memory_space<vmem_shared>>)
      tpu.yield
    }) : () -> ()
    %add3A_10 = arith.constant 128 : i32
    %add3A_11 = arith.addi %mul3A_2, %add3A_10 : i32
    "tpu.region"() ({
      %run_scoped3A = tpu.sem_alloc : memref<!tpu.dma_semaphore, #tpu.memory_space<semaphore_mem>>
      %dma_start3A_114 = arith.constant 0 : i32
      %dma_start3A_115 = tpu.memref_slice %arg10[%add3A_11, %dma_start3A_114] : memref<10112x128xf32, #tpu.memory_space<vmem_shared>> -> memref<128x128xf32, #tpu.memory_space<vmem_shared>>
      %dma_start3A_116 = arith.constant 0 : i32
      %dma_start3A_117 = tpu.memref_slice %arg10[%add3A_11, %dma_start3A_116] : memref<10112x128xf32, #tpu.memory_space<vmem_shared>> -> memref<128x128xf32, #tpu.memory_space<vmem_shared>>
      tpu.enqueue_dma source(%arg8 : memref<128x128xf32, #tpu.memory_space<vmem>>) target(%dma_start3A_117 : memref<128x128xf32, #tpu.memory_space<vmem_shared>>) target_semaphore(%run_scoped3A : memref<!tpu.dma_semaphore, #tpu.memory_space<semaphore_mem>>)
      %dma_wait3A_118 = arith.constant 0 : i32
      %dma_wait3A_119 = tpu.memref_slice %arg10[%add3A_11, %dma_wait3A_118] : memref<10112x128xf32, #tpu.memory_space<vmem_shared>> -> memref<128x128xf32, #tpu.memory_space<vmem_shared>>
      %dma_wait3A_120 = arith.constant 0 : i32
      %dma_wait3A_121 = tpu.memref_slice %arg10[%add3A_11, %dma_wait3A_120] : memref<10112x128xf32, #tpu.memory_space<vmem_shared>> -> memref<128x128xf32, #tpu.memory_space<vmem_shared>>
      tpu.wait_dma2 semaphore(%run_scoped3A : memref<!tpu.dma_semaphore, #tpu.memory_space<semaphore_mem>>) src(%arg8 : memref<128x128xf32, #tpu.memory_space<vmem>>) dst(%dma_wait3A_121 : memref<128x128xf32, #tpu.memory_space<vmem_shared>>)
      tpu.yield
    }) : () -> ()
    %add3A_12 = arith.constant 256 : i32
    %add3A_13 = arith.addi %mul3A_2, %add3A_12 : i32
    "tpu.region"() ({
      %run_scoped3A = tpu.sem_alloc : memref<!tpu.dma_semaphore, #tpu.memory_space<semaphore_mem>>
      %dma_start3A_114 = arith.constant 0 : i32
      %dma_start3A_115 = tpu.memref_slice %arg10[%add3A_13, %dma_start3A_114] : memref<10112x128xf32, #tpu.memory_space<vmem_shared>> -> memref<128x128xf32, #tpu.memory_space<vmem_shared>>
      %dma_start3A_116 = arith.constant 0 : i32
      %dma_start3A_117 = tpu.memref_slice %arg10[%add3A_13, %dma_start3A_116] : memref<10112x128xf32, #tpu.memory_space<vmem_shared>> -> memref<128x128xf32, #tpu.memory_space<vmem_shared>>
      tpu.enqueue_dma source(%arg8 : memref<128x128xf32, #tpu.memory_space<vmem>>) target(%dma_start3A_117 : memref<128x128xf32, #tpu.memory_space<vmem_shared>>) target_semaphore(%run_scoped3A : memref<!tpu.dma_semaphore, #tpu.memory_space<semaphore_mem>>)
      %dma_wait3A_118 = arith.constant 0 : i32
      %dma_wait3A_119 = tpu.memref_slice %arg10[%add3A_13, %dma_wait3A_118] : memref<10112x128xf32, #tpu.memory_space<vmem_shared>> -> memref<128x128xf32, #tpu.memory_space<vmem_shared>>
      %dma_wait3A_120 = arith.constant 0 : i32
      %dma_wait3A_121 = tpu.memref_slice %arg10[%add3A_13, %dma_wait3A_120] : memref<10112x128xf32, #tpu.memory_space<vmem_shared>> -> memref<128x128xf32, #tpu.memory_space<vmem_shared>>
      tpu.wait_dma2 semaphore(%run_scoped3A : memref<!tpu.dma_semaphore, #tpu.memory_space<semaphore_mem>>) src(%arg8 : memref<128x128xf32, #tpu.memory_space<vmem>>) dst(%dma_wait3A_121 : memref<128x128xf32, #tpu.memory_space<vmem_shared>>)
      tpu.yield
    }) : () -> ()
    %add3A_14 = arith.constant 384 : i32
    %add3A_15 = arith.addi %mul3A_2, %add3A_14 : i32
    "tpu.region"() ({
      %run_scoped3A = tpu.sem_alloc : memref<!tpu.dma_semaphore, #tpu.memory_space<semaphore_mem>>
      %dma_start3A_114 = arith.constant 0 : i32
      %dma_start3A_115 = tpu.memref_slice %arg10[%add3A_15, %dma_start3A_114] : memref<10112x128xf32, #tpu.memory_space<vmem_shared>> -> memref<128x128xf32, #tpu.memory_space<vmem_shared>>
      %dma_start3A_116 = arith.constant 0 : i32
      %dma_start3A_117 = tpu.memref_slice %arg10[%add3A_15, %dma_start3A_116] : memref<10112x128xf32, #tpu.memory_space<vmem_shared>> -> memref<128x128xf32, #tpu.memory_space<vmem_shared>>
      tpu.enqueue_dma source(%arg8 : memref<128x128xf32, #tpu.memory_space<vmem>>) target(%dma_start3A_117 : memref<128x128xf32, #tpu.memory_space<vmem_shared>>) target_semaphore(%run_scoped3A : memref<!tpu.dma_semaphore, #tpu.memory_space<semaphore_mem>>)
      %dma_wait3A_118 = arith.constant 0 : i32
      %dma_wait3A_119 = tpu.memref_slice %arg10[%add3A_15, %dma_wait3A_118] : memref<10112x128xf32, #tpu.memory_space<vmem_shared>> -> memref<128x128xf32, #tpu.memory_space<vmem_shared>>
      %dma_wait3A_120 = arith.constant 0 : i32
      %dma_wait3A_121 = tpu.memref_slice %arg10[%add3A_15, %dma_wait3A_120] : memref<10112x128xf32, #tpu.memory_space<vmem_shared>> -> memref<128x128xf32, #tpu.memory_space<vmem_shared>>
      tpu.wait_dma2 semaphore(%run_scoped3A : memref<!tpu.dma_semaphore, #tpu.memory_space<semaphore_mem>>) src(%arg8 : memref<128x128xf32, #tpu.memory_space<vmem>>) dst(%dma_wait3A_121 : memref<128x128xf32, #tpu.memory_space<vmem_shared>>)
      tpu.yield
    }) : () -> ()
    %add3A_16 = arith.constant 512 : i32
    %add3A_17 = arith.addi %mul3A_2, %add3A_16 : i32
    "tpu.region"() ({
      %run_scoped3A = tpu.sem_alloc : memref<!tpu.dma_semaphore, #tpu.memory_space<semaphore_mem>>
      %dma_start3A_114 = arith.constant 0 : i32
      %dma_start3A_115 = arith.constant 0 : i32
      %dma_start3A_116 = tpu.memref_slice %arg8[%dma_start3A_114, %dma_start3A_115] : memref<128x128xf32, #tpu.memory_space<vmem>> -> memref<120x128xf32, #tpu.memory_space<vmem>>
      %dma_start3A_117 = arith.constant 0 : i32
      %dma_start3A_118 = tpu.memref_slice %arg10[%add3A_17, %dma_start3A_117] : memref<10112x128xf32, #tpu.memory_space<vmem_shared>> -> memref<120x128xf32, #tpu.memory_space<vmem_shared>>
      %dma_start3A_119 = arith.constant 0 : i32
      %dma_start3A_120 = tpu.memref_slice %arg10[%add3A_17, %dma_start3A_119] : memref<10112x128xf32, #tpu.memory_space<vmem_shared>> -> memref<120x128xf32, #tpu.memory_space<vmem_shared>>
      %dma_start3A_121 = arith.constant 0 : i32
      %dma_start3A_122 = arith.constant 0 : i32
      %dma_start3A_123 = tpu.memref_slice %arg8[%dma_start3A_121, %dma_start3A_122] : memref<128x128xf32, #tpu.memory_space<vmem>> -> memref<120x128xf32, #tpu.memory_space<vmem>>
      tpu.enqueue_dma source(%dma_start3A_123 : memref<120x128xf32, #tpu.memory_space<vmem>>) target(%dma_start3A_120 : memref<120x128xf32, #tpu.memory_space<vmem_shared>>) target_semaphore(%run_scoped3A : memref<!tpu.dma_semaphore, #tpu.memory_space<semaphore_mem>>)
      %dma_wait3A_124 = arith.constant 0 : i32
      %dma_wait3A_125 = arith.constant 0 : i32
      %dma_wait3A_126 = tpu.memref_slice %arg8[%dma_wait3A_124, %dma_wait3A_125] : memref<128x128xf32, #tpu.memory_space<vmem>> -> memref<120x128xf32, #tpu.memory_space<vmem>>
      %dma_wait3A_127 = arith.constant 0 : i32
      %dma_wait3A_128 = tpu.memref_slice %arg10[%add3A_17, %dma_wait3A_127] : memref<10112x128xf32, #tpu.memory_space<vmem_shared>> -> memref<120x128xf32, #tpu.memory_space<vmem_shared>>
      %dma_wait3A_129 = arith.constant 0 : i32
      %dma_wait3A_130 = tpu.memref_slice %arg10[%add3A_17, %dma_wait3A_129] : memref<10112x128xf32, #tpu.memory_space<vmem_shared>> -> memref<120x128xf32, #tpu.memory_space<vmem_shared>>
      %dma_wait3A_131 = arith.constant 0 : i32
      %dma_wait3A_132 = arith.constant 0 : i32
      %dma_wait3A_133 = tpu.memref_slice %arg8[%dma_wait3A_131, %dma_wait3A_132] : memref<128x128xf32, #tpu.memory_space<vmem>> -> memref<120x128xf32, #tpu.memory_space<vmem>>
      tpu.wait_dma2 semaphore(%run_scoped3A : memref<!tpu.dma_semaphore, #tpu.memory_space<semaphore_mem>>) src(%dma_wait3A_133 : memref<120x128xf32, #tpu.memory_space<vmem>>) dst(%dma_wait3A_130 : memref<120x128xf32, #tpu.memory_space<vmem_shared>>)
      tpu.yield
    }) : () -> ()
    %barrier3A = arith.constant 0 : index
    tpu.barrier barrier_id(%barrier3A)
    %dma_start3A = arith.constant 0 : i32
    %dma_start3A_18 = arith.constant 0 : i32
    %dma_start3A_19 = arith.constant 0 : i32
    %dma_start3A_20 = tpu.memref_slice %arg6[%dma_start3A, %dma_start3A_18, %dma_start3A_19] : memref<2x16x128xi32, #tpu.memory_space<vmem>> -> memref<1x16x128xi32, #tpu.memory_space<vmem>>
    %dma_start3A_21 = tpu.memref_squeeze %dma_start3A_20 : memref<1x16x128xi32, #tpu.memory_space<vmem>> -> memref<16x128xi32, #tpu.memory_space<vmem>>
    %dma_start3A_22 = arith.constant 0 : i32
    %dma_start3A_23 = arith.constant 0 : i32
    %dma_start3A_24 = tpu.memref_slice %arg3[%add3A, %dma_start3A_22, %dma_start3A_23] : memref<32x80x128xi32, #tpu.memory_space<hbm>> -> memref<1x16x128xi32, #tpu.memory_space<hbm>>
    %dma_start3A_25 = tpu.memref_squeeze %dma_start3A_24 : memref<1x16x128xi32, #tpu.memory_space<hbm>> -> memref<16x128xi32, #tpu.memory_space<hbm>>
    %dma_start3A_26 = arith.constant 0 : i32
    %dma_start3A_27 = arith.constant 0 : i32
    %dma_start3A_28 = tpu.memref_slice %arg6[%dma_start3A, %dma_start3A_26, %dma_start3A_27] : memref<2x16x128xi32, #tpu.memory_space<vmem>> -> memref<1x16x128xi32, #tpu.memory_space<vmem>>
    %dma_start3A_29 = tpu.memref_squeeze %dma_start3A_28 : memref<1x16x128xi32, #tpu.memory_space<vmem>> -> memref<16x128xi32, #tpu.memory_space<vmem>>
    %dma_start3A_30 = arith.constant 0 : i32
    %dma_start3A_31 = arith.constant 0 : i32
    %dma_start3A_32 = tpu.memref_slice %arg3[%add3A, %dma_start3A_30, %dma_start3A_31] : memref<32x80x128xi32, #tpu.memory_space<hbm>> -> memref<1x16x128xi32, #tpu.memory_space<hbm>>
    %dma_start3A_33 = tpu.memref_squeeze %dma_start3A_32 : memref<1x16x128xi32, #tpu.memory_space<hbm>> -> memref<16x128xi32, #tpu.memory_space<hbm>>
    tpu.enqueue_dma source(%dma_start3A_33 : memref<16x128xi32, #tpu.memory_space<hbm>>) target(%dma_start3A_29 : memref<16x128xi32, #tpu.memory_space<vmem>>) target_semaphore(%arg15 : memref<!tpu.dma_semaphore, #tpu.memory_space<semaphore_mem>>)
    %dma_start3A_34 = arith.constant 0 : i32
    %dma_start3A_35 = arith.constant 0 : i32
    %dma_start3A_36 = arith.constant 0 : i32
    %dma_start3A_37 = tpu.memref_slice %arg7[%dma_start3A_34, %dma_start3A_35, %dma_start3A_36] : memref<2x16x128xi32, #tpu.memory_space<vmem>> -> memref<1x16x128xi32, #tpu.memory_space<vmem>>
    %dma_start3A_38 = tpu.memref_squeeze %dma_start3A_37 : memref<1x16x128xi32, #tpu.memory_space<vmem>> -> memref<16x128xi32, #tpu.memory_space<vmem>>
    %dma_start3A_39 = arith.constant 0 : i32
    %dma_start3A_40 = arith.constant 0 : i32
    %dma_start3A_41 = tpu.memref_slice %arg4[%add3A, %dma_start3A_39, %dma_start3A_40] : memref<32x80x128xi32, #tpu.memory_space<hbm>> -> memref<1x16x128xi32, #tpu.memory_space<hbm>>
    %dma_start3A_42 = tpu.memref_squeeze %dma_start3A_41 : memref<1x16x128xi32, #tpu.memory_space<hbm>> -> memref<16x128xi32, #tpu.memory_space<hbm>>
    %dma_start3A_43 = arith.constant 0 : i32
    %dma_start3A_44 = arith.constant 0 : i32
    %dma_start3A_45 = tpu.memref_slice %arg7[%dma_start3A_34, %dma_start3A_43, %dma_start3A_44] : memref<2x16x128xi32, #tpu.memory_space<vmem>> -> memref<1x16x128xi32, #tpu.memory_space<vmem>>
    %dma_start3A_46 = tpu.memref_squeeze %dma_start3A_45 : memref<1x16x128xi32, #tpu.memory_space<vmem>> -> memref<16x128xi32, #tpu.memory_space<vmem>>
    %dma_start3A_47 = arith.constant 0 : i32
    %dma_start3A_48 = arith.constant 0 : i32
    %dma_start3A_49 = tpu.memref_slice %arg4[%add3A, %dma_start3A_47, %dma_start3A_48] : memref<32x80x128xi32, #tpu.memory_space<hbm>> -> memref<1x16x128xi32, #tpu.memory_space<hbm>>
    %dma_start3A_50 = tpu.memref_squeeze %dma_start3A_49 : memref<1x16x128xi32, #tpu.memory_space<hbm>> -> memref<16x128xi32, #tpu.memory_space<hbm>>
    tpu.enqueue_dma source(%dma_start3A_50 : memref<16x128xi32, #tpu.memory_space<hbm>>) target(%dma_start3A_46 : memref<16x128xi32, #tpu.memory_space<vmem>>) target_semaphore(%arg16 : memref<!tpu.dma_semaphore, #tpu.memory_space<semaphore_mem>>)
    %dma_wait3A = arith.constant 0 : i32
    %dma_wait3A_51 = arith.constant 0 : i32
    %dma_wait3A_52 = arith.constant 0 : i32
    %dma_wait3A_53 = tpu.memref_slice %arg6[%dma_wait3A, %dma_wait3A_51, %dma_wait3A_52] : memref<2x16x128xi32, #tpu.memory_space<vmem>> -> memref<1x16x128xi32, #tpu.memory_space<vmem>>
    %dma_wait3A_54 = tpu.memref_squeeze %dma_wait3A_53 : memref<1x16x128xi32, #tpu.memory_space<vmem>> -> memref<16x128xi32, #tpu.memory_space<vmem>>
    %dma_wait3A_55 = arith.constant 0 : i32
    %dma_wait3A_56 = arith.constant 0 : i32
    %dma_wait3A_57 = tpu.memref_slice %arg3[%add3A, %dma_wait3A_55, %dma_wait3A_56] : memref<32x80x128xi32, #tpu.memory_space<hbm>> -> memref<1x16x128xi32, #tpu.memory_space<hbm>>
    %dma_wait3A_58 = tpu.memref_squeeze %dma_wait3A_57 : memref<1x16x128xi32, #tpu.memory_space<hbm>> -> memref<16x128xi32, #tpu.memory_space<hbm>>
    %dma_wait3A_59 = arith.constant 0 : i32
    %dma_wait3A_60 = arith.constant 0 : i32
    %dma_wait3A_61 = tpu.memref_slice %arg6[%dma_wait3A, %dma_wait3A_59, %dma_wait3A_60] : memref<2x16x128xi32, #tpu.memory_space<vmem>> -> memref<1x16x128xi32, #tpu.memory_space<vmem>>
    %dma_wait3A_62 = tpu.memref_squeeze %dma_wait3A_61 : memref<1x16x128xi32, #tpu.memory_space<vmem>> -> memref<16x128xi32, #tpu.memory_space<vmem>>
    %dma_wait3A_63 = arith.constant 0 : i32
    %dma_wait3A_64 = arith.constant 0 : i32
    %dma_wait3A_65 = tpu.memref_slice %arg3[%add3A, %dma_wait3A_63, %dma_wait3A_64] : memref<32x80x128xi32, #tpu.memory_space<hbm>> -> memref<1x16x128xi32, #tpu.memory_space<hbm>>
    %dma_wait3A_66 = tpu.memref_squeeze %dma_wait3A_65 : memref<1x16x128xi32, #tpu.memory_space<hbm>> -> memref<16x128xi32, #tpu.memory_space<hbm>>
    tpu.wait_dma2 semaphore(%arg15 : memref<!tpu.dma_semaphore, #tpu.memory_space<semaphore_mem>>) src(%dma_wait3A_66 : memref<16x128xi32, #tpu.memory_space<hbm>>) dst(%dma_wait3A_62 : memref<16x128xi32, #tpu.memory_space<vmem>>)
    %dma_wait3A_67 = arith.constant 0 : i32
    %dma_wait3A_68 = arith.constant 0 : i32
    %dma_wait3A_69 = arith.constant 0 : i32
    %dma_wait3A_70 = tpu.memref_slice %arg7[%dma_wait3A_67, %dma_wait3A_68, %dma_wait3A_69] : memref<2x16x128xi32, #tpu.memory_space<vmem>> -> memref<1x16x128xi32, #tpu.memory_space<vmem>>
    %dma_wait3A_71 = tpu.memref_squeeze %dma_wait3A_70 : memref<1x16x128xi32, #tpu.memory_space<vmem>> -> memref<16x128xi32, #tpu.memory_space<vmem>>
    %dma_wait3A_72 = arith.constant 0 : i32
    %dma_wait3A_73 = arith.constant 0 : i32
    %dma_wait3A_74 = tpu.memref_slice %arg4[%add3A, %dma_wait3A_72, %dma_wait3A_73] : memref<32x80x128xi32, #tpu.memory_space<hbm>> -> memref<1x16x128xi32, #tpu.memory_space<hbm>>
    %dma_wait3A_75 = tpu.memref_squeeze %dma_wait3A_74 : memref<1x16x128xi32, #tpu.memory_space<hbm>> -> memref<16x128xi32, #tpu.memory_space<hbm>>
    %dma_wait3A_76 = arith.constant 0 : i32
    %dma_wait3A_77 = arith.constant 0 : i32
    %dma_wait3A_78 = tpu.memref_slice %arg7[%dma_wait3A_67, %dma_wait3A_76, %dma_wait3A_77] : memref<2x16x128xi32, #tpu.memory_space<vmem>> -> memref<1x16x128xi32, #tpu.memory_space<vmem>>
    %dma_wait3A_79 = tpu.memref_squeeze %dma_wait3A_78 : memref<1x16x128xi32, #tpu.memory_space<vmem>> -> memref<16x128xi32, #tpu.memory_space<vmem>>
    %dma_wait3A_80 = arith.constant 0 : i32
    %dma_wait3A_81 = arith.constant 0 : i32
    %dma_wait3A_82 = tpu.memref_slice %arg4[%add3A, %dma_wait3A_80, %dma_wait3A_81] : memref<32x80x128xi32, #tpu.memory_space<hbm>> -> memref<1x16x128xi32, #tpu.memory_space<hbm>>
    %dma_wait3A_83 = tpu.memref_squeeze %dma_wait3A_82 : memref<1x16x128xi32, #tpu.memory_space<hbm>> -> memref<16x128xi32, #tpu.memory_space<hbm>>
    tpu.wait_dma2 semaphore(%arg16 : memref<!tpu.dma_semaphore, #tpu.memory_space<semaphore_mem>>) src(%dma_wait3A_83 : memref<16x128xi32, #tpu.memory_space<hbm>>) dst(%dma_wait3A_79 : memref<16x128xi32, #tpu.memory_space<vmem>>)
    %dma_start3A_84 = arith.constant 0 : i32
    %dma_start3A_85 = arith.constant 0 : i32
    %dma_start3A_86 = arith.constant 0 : i32
    %dma_start3A_87 = tpu.memref_slice %arg6[%dma_start3A_84, %dma_start3A_85, %dma_start3A_86] : memref<2x16x128xi32, #tpu.memory_space<vmem>> -> memref<1x1x128xi32, #tpu.memory_space<vmem>>
    %dma_start3A_88 = tpu.memref_squeeze %dma_start3A_87 : memref<1x1x128xi32, #tpu.memory_space<vmem>> -> memref<128xi32, #tpu.memory_space<vmem>>
    %dma_start3A_89 = arith.constant 0 : i32
    %dma_start3A_90 = arith.constant 0 : i32
    %dma_start3A_91 = tpu.memref_slice %arg2[%dma_start3A_89, %dma_start3A_90] : memref<10000x128xf32, #tpu.memory_space<hbm>> -> memref<10000x128xf32, #tpu.memory_space<hbm>>
    tpu.enqueue_indirect_dma source(%dma_start3A_91 : memref<10000x128xf32, #tpu.memory_space<hbm>>) target(%arg8 : memref<128x128xf32, #tpu.memory_space<vmem>>) offsets(%dma_start3A_88 : memref<128xi32, #tpu.memory_space<vmem>>) semaphore(%arg11 : memref<!tpu.dma_semaphore, #tpu.memory_space<semaphore_mem>>)
    %scan3A_92 = arith.constant 0 : i32
    %scan3A_93 = arith.constant 5 : i32
    %scan3A_94 = arith.addi %scan3A_92, %scan3A_93 : i32
    %scan3A_95 = arith.constant 1 : i32
    scf.for %scan3A_114 = %scan3A_92 to %scan3A_94 step %scan3A_95  : i32 {
      %jit3A = arith.constant 2 : i32
      %eq3A = arith.constant 0 : i32
      %eq3A_115 = arith.cmpi eq, %jit3A, %eq3A : i32
      %jit3A_116 = arith.constant 1 : i32
      %select_n3A = arith.select %eq3A_115, %jit3A_116, %jit3A : i32
      %rem3A = arith.remsi %scan3A_114, %select_n3A : i32
      %ne3A = arith.constant 0 : i32
      %ne3A_117 = arith.cmpi ne, %rem3A, %ne3A : i32
      %lt3A = arith.constant 0 : i32
      %lt3A_118 = arith.cmpi slt, %rem3A, %lt3A : i32
      %lt3A_119 = arith.constant 0 : i32
      %lt3A_120 = arith.cmpi slt, %select_n3A, %lt3A_119 : i32
      %ne3A_121 = arith.xori %lt3A_118, %lt3A_120 : i1
      %and3A = arith.andi %ne3A_121, %ne3A_117 : i1
      %add3A_122 = arith.addi %rem3A, %select_n3A : i32
      %select_n3A_123 = arith.select %and3A, %add3A_122, %rem3A : i32
      %sub3A = arith.constant 1 : i32
      %sub3A_124 = arith.subi %sub3A, %select_n3A_123 : i32
      %ge3A = arith.constant 1 : i32
      %ge3A_125 = arith.cmpi sge, %scan3A_114, %ge3A : i32
      %convert_element_type3A = arith.extui %ge3A_125 : i1 to i32
      %cond3A = arith.constant 0 : i32
      %cond3A_126 = arith.cmpi ne, %convert_element_type3A, %cond3A : i32
      scf.if %cond3A_126 {
        %dma_wait3A_568 = arith.constant 15 : i32
        %dma_wait3A_569 = arith.constant 0 : i32
        %dma_wait3A_570 = tpu.memref_slice %arg7[%sub3A_124, %dma_wait3A_568, %dma_wait3A_569] : memref<2x16x128xi32, #tpu.memory_space<vmem>> -> memref<1x1x128xi32, #tpu.memory_space<vmem>>
        %dma_wait3A_571 = tpu.memref_squeeze %dma_wait3A_570 : memref<1x1x128xi32, #tpu.memory_space<vmem>> -> memref<128xi32, #tpu.memory_space<vmem>>
        %dma_wait3A_572 = arith.constant 0 : i32
        %dma_wait3A_573 = arith.constant 0 : i32
        %dma_wait3A_574 = tpu.memref_slice %arg10[%dma_wait3A_572, %dma_wait3A_573] : memref<10112x128xf32, #tpu.memory_space<vmem_shared>> -> memref<10112x128xf32, #tpu.memory_space<vmem_shared>>
        tpu.wait_indirect_dma semaphore(%arg14 : memref<!tpu.dma_semaphore, #tpu.memory_space<semaphore_mem>>) src(%arg9 : memref<128x128xf32, #tpu.memory_space<vmem>>) dst(%dma_wait3A_574 : memref<10112x128xf32, #tpu.memory_space<vmem_shared>>)
      } else {
      }
      %dma_start3A_127 = arith.constant 1 : i32
      %dma_start3A_128 = arith.constant 0 : i32
      %dma_start3A_129 = tpu.memref_slice %arg6[%select_n3A_123, %dma_start3A_127, %dma_start3A_128] : memref<2x16x128xi32, #tpu.memory_space<vmem>> -> memref<1x1x128xi32, #tpu.memory_space<vmem>>
      %dma_start3A_130 = tpu.memref_squeeze %dma_start3A_129 : memref<1x1x128xi32, #tpu.memory_space<vmem>> -> memref<128xi32, #tpu.memory_space<vmem>>
      %dma_start3A_131 = arith.constant 0 : i32
      %dma_start3A_132 = arith.constant 0 : i32
      %dma_start3A_133 = tpu.memref_slice %arg2[%dma_start3A_131, %dma_start3A_132] : memref<10000x128xf32, #tpu.memory_space<hbm>> -> memref<10000x128xf32, #tpu.memory_space<hbm>>
      tpu.enqueue_indirect_dma source(%dma_start3A_133 : memref<10000x128xf32, #tpu.memory_space<hbm>>) target(%arg9 : memref<128x128xf32, #tpu.memory_space<vmem>>) offsets(%dma_start3A_130 : memref<128xi32, #tpu.memory_space<vmem>>) semaphore(%arg12 : memref<!tpu.dma_semaphore, #tpu.memory_space<semaphore_mem>>)
      %dma_wait3A_134 = arith.constant 0 : i32
      %dma_wait3A_135 = arith.constant 0 : i32
      %dma_wait3A_136 = tpu.memref_slice %arg6[%select_n3A_123, %dma_wait3A_134, %dma_wait3A_135] : memref<2x16x128xi32, #tpu.memory_space<vmem>> -> memref<1x1x128xi32, #tpu.memory_space<vmem>>
      %dma_wait3A_137 = tpu.memref_squeeze %dma_wait3A_136 : memref<1x1x128xi32, #tpu.memory_space<vmem>> -> memref<128xi32, #tpu.memory_space<vmem>>
      %dma_wait3A_138 = arith.constant 0 : i32
      %dma_wait3A_139 = arith.constant 0 : i32
      %dma_wait3A_140 = tpu.memref_slice %arg2[%dma_wait3A_138, %dma_wait3A_139] : memref<10000x128xf32, #tpu.memory_space<hbm>> -> memref<10000x128xf32, #tpu.memory_space<hbm>>
      tpu.wait_indirect_dma semaphore(%arg11 : memref<!tpu.dma_semaphore, #tpu.memory_space<semaphore_mem>>) src(%dma_wait3A_140 : memref<10000x128xf32, #tpu.memory_space<hbm>>) dst(%arg8 : memref<128x128xf32, #tpu.memory_space<vmem>>)
      %dma_start3A_141 = arith.constant 0 : i32
      %dma_start3A_142 = arith.constant 0 : i32
      %dma_start3A_143 = tpu.memref_slice %arg7[%select_n3A_123, %dma_start3A_141, %dma_start3A_142] : memref<2x16x128xi32, #tpu.memory_space<vmem>> -> memref<1x1x128xi32, #tpu.memory_space<vmem>>
      %dma_start3A_144 = tpu.memref_squeeze %dma_start3A_143 : memref<1x1x128xi32, #tpu.memory_space<vmem>> -> memref<128xi32, #tpu.memory_space<vmem>>
      %dma_start3A_145 = arith.constant 0 : i32
      %dma_start3A_146 = arith.constant 0 : i32
      %dma_start3A_147 = tpu.memref_slice %arg10[%dma_start3A_145, %dma_start3A_146] : memref<10112x128xf32, #tpu.memory_space<vmem_shared>> -> memref<10112x128xf32, #tpu.memory_space<vmem_shared>>
      tpu.enqueue_indirect_dma source(%arg8 : memref<128x128xf32, #tpu.memory_space<vmem>>) target(%dma_start3A_147 : memref<10112x128xf32, #tpu.memory_space<vmem_shared>>) offsets(%dma_start3A_144 : memref<128xi32, #tpu.memory_space<vmem>>) semaphore(%arg13 : memref<!tpu.dma_semaphore, #tpu.memory_space<semaphore_mem>>) {add = true}
      %add3A_148 = arith.constant 1 : i32
      %add3A_149 = arith.addi %scan3A_114, %add3A_148 : i32
      %lt3A_150 = arith.constant 5 : i32
      %lt3A_151 = arith.cmpi slt, %add3A_149, %lt3A_150 : i32
      %convert_element_type3A_152 = arith.extui %lt3A_151 : i1 to i32
      %cond3A_153 = arith.constant 0 : i32
      %cond3A_154 = arith.cmpi ne, %convert_element_type3A_152, %cond3A_153 : i32
      scf.if %cond3A_154 {
        %add3A_568 = arith.constant 1 : i32
        %add3A_569 = arith.addi %scan3A_114, %add3A_568 : i32
        %mul3A_570 = arith.constant 16 : i32
        %mul3A_571 = arith.muli %add3A_569, %mul3A_570 : i32
        %dma_start3A_572 = arith.constant 0 : i32
        %dma_start3A_573 = arith.constant 0 : i32
        %dma_start3A_574 = tpu.memref_slice %arg6[%sub3A_124, %dma_start3A_572, %dma_start3A_573] : memref<2x16x128xi32, #tpu.memory_space<vmem>> -> memref<1x16x128xi32, #tpu.memory_space<vmem>>
        %dma_start3A_575 = tpu.memref_squeeze %dma_start3A_574 : memref<1x16x128xi32, #tpu.memory_space<vmem>> -> memref<16x128xi32, #tpu.memory_space<vmem>>
        %dma_start3A_576 = arith.constant 0 : i32
        %dma_start3A_577 = tpu.memref_slice %arg3[%add3A, %mul3A_571, %dma_start3A_576] : memref<32x80x128xi32, #tpu.memory_space<hbm>> -> memref<1x16x128xi32, #tpu.memory_space<hbm>>
        %dma_start3A_578 = tpu.memref_squeeze %dma_start3A_577 : memref<1x16x128xi32, #tpu.memory_space<hbm>> -> memref<16x128xi32, #tpu.memory_space<hbm>>
        %dma_start3A_579 = arith.constant 0 : i32
        %dma_start3A_580 = arith.constant 0 : i32
        %dma_start3A_581 = tpu.memref_slice %arg6[%sub3A_124, %dma_start3A_579, %dma_start3A_580] : memref<2x16x128xi32, #tpu.memory_space<vmem>> -> memref<1x16x128xi32, #tpu.memory_space<vmem>>
        %dma_start3A_582 = tpu.memref_squeeze %dma_start3A_581 : memref<1x16x128xi32, #tpu.memory_space<vmem>> -> memref<16x128xi32, #tpu.memory_space<vmem>>
        %dma_start3A_583 = arith.constant 0 : i32
        %dma_start3A_584 = tpu.memref_slice %arg3[%add3A, %mul3A_571, %dma_start3A_583] : memref<32x80x128xi32, #tpu.memory_space<hbm>> -> memref<1x16x128xi32, #tpu.memory_space<hbm>>
        %dma_start3A_585 = tpu.memref_squeeze %dma_start3A_584 : memref<1x16x128xi32, #tpu.memory_space<hbm>> -> memref<16x128xi32, #tpu.memory_space<hbm>>
        tpu.enqueue_dma source(%dma_start3A_585 : memref<16x128xi32, #tpu.memory_space<hbm>>) target(%dma_start3A_582 : memref<16x128xi32, #tpu.memory_space<vmem>>) target_semaphore(%arg15 : memref<!tpu.dma_semaphore, #tpu.memory_space<semaphore_mem>>)
        %mul3A_586 = arith.constant 16 : i32
        %mul3A_587 = arith.muli %add3A_569, %mul3A_586 : i32
        %dma_start3A_588 = arith.constant 0 : i32
        %dma_start3A_589 = arith.constant 0 : i32
        %dma_start3A_590 = tpu.memref_slice %arg7[%sub3A_124, %dma_start3A_588, %dma_start3A_589] : memref<2x16x128xi32, #tpu.memory_space<vmem>> -> memref<1x16x128xi32, #tpu.memory_space<vmem>>
        %dma_start3A_591 = tpu.memref_squeeze %dma_start3A_590 : memref<1x16x128xi32, #tpu.memory_space<vmem>> -> memref<16x128xi32, #tpu.memory_space<vmem>>
        %dma_start3A_592 = arith.constant 0 : i32
        %dma_start3A_593 = tpu.memref_slice %arg4[%add3A, %mul3A_587, %dma_start3A_592] : memref<32x80x128xi32, #tpu.memory_space<hbm>> -> memref<1x16x128xi32, #tpu.memory_space<hbm>>
        %dma_start3A_594 = tpu.memref_squeeze %dma_start3A_593 : memref<1x16x128xi32, #tpu.memory_space<hbm>> -> memref<16x128xi32, #tpu.memory_space<hbm>>
        %dma_start3A_595 = arith.constant 0 : i32
        %dma_start3A_596 = arith.constant 0 : i32
        %dma_start3A_597 = tpu.memref_slice %arg7[%sub3A_124, %dma_start3A_595, %dma_start3A_596] : memref<2x16x128xi32, #tpu.memory_space<vmem>> -> memref<1x16x128xi32, #tpu.memory_space<vmem>>
        %dma_start3A_598 = tpu.memref_squeeze %dma_start3A_597 : memref<1x16x128xi32, #tpu.memory_space<vmem>> -> memref<16x128xi32, #tpu.memory_space<vmem>>
        %dma_start3A_599 = arith.constant 0 : i32
        %dma_start3A_600 = tpu.memref_slice %arg4[%add3A, %mul3A_587, %dma_start3A_599] : memref<32x80x128xi32, #tpu.memory_space<hbm>> -> memref<1x16x128xi32, #tpu.memory_space<hbm>>
        %dma_start3A_601 = tpu.memref_squeeze %dma_start3A_600 : memref<1x16x128xi32, #tpu.memory_space<hbm>> -> memref<16x128xi32, #tpu.memory_space<hbm>>
        tpu.enqueue_dma source(%dma_start3A_601 : memref<16x128xi32, #tpu.memory_space<hbm>>) target(%dma_start3A_598 : memref<16x128xi32, #tpu.memory_space<vmem>>) target_semaphore(%arg16 : memref<!tpu.dma_semaphore, #tpu.memory_space<semaphore_mem>>)
      } else {
      }
      %dma_wait3A_155 = arith.constant 0 : i32
      %dma_wait3A_156 = arith.constant 0 : i32
      %dma_wait3A_157 = tpu.memref_slice %arg7[%select_n3A_123, %dma_wait3A_155, %dma_wait3A_156] : memref<2x16x128xi32, #tpu.memory_space<vmem>> -> memref<1x1x128xi32, #tpu.memory_space<vmem>>
      %dma_wait3A_158 = tpu.memref_squeeze %dma_wait3A_157 : memref<1x1x128xi32, #tpu.memory_space<vmem>> -> memref<128xi32, #tpu.memory_space<vmem>>
      %dma_wait3A_159 = arith.constant 0 : i32
      %dma_wait3A_160 = arith.constant 0 : i32
      %dma_wait3A_161 = tpu.memref_slice %arg10[%dma_wait3A_159, %dma_wait3A_160] : memref<10112x128xf32, #tpu.memory_space<vmem_shared>> -> memref<10112x128xf32, #tpu.memory_space<vmem_shared>>
      tpu.wait_indirect_dma semaphore(%arg13 : memref<!tpu.dma_semaphore, #tpu.memory_space<semaphore_mem>>) src(%arg8 : memref<128x128xf32, #tpu.memory_space<vmem>>) dst(%dma_wait3A_161 : memref<10112x128xf32, #tpu.memory_space<vmem_shared>>)
      %dma_start3A_162 = arith.constant 2 : i32
      %dma_start3A_163 = arith.constant 0 : i32
      %dma_start3A_164 = tpu.memref_slice %arg6[%select_n3A_123, %dma_start3A_162, %dma_start3A_163] : memref<2x16x128xi32, #tpu.memory_space<vmem>> -> memref<1x1x128xi32, #tpu.memory_space<vmem>>
      %dma_start3A_165 = tpu.memref_squeeze %dma_start3A_164 : memref<1x1x128xi32, #tpu.memory_space<vmem>> -> memref<128xi32, #tpu.memory_space<vmem>>
      %dma_start3A_166 = arith.constant 0 : i32
      %dma_start3A_167 = arith.constant 0 : i32
      %dma_start3A_168 = tpu.memref_slice %arg2[%dma_start3A_166, %dma_start3A_167] : memref<10000x128xf32, #tpu.memory_space<hbm>> -> memref<10000x128xf32, #tpu.memory_space<hbm>>
      tpu.enqueue_indirect_dma source(%dma_start3A_168 : memref<10000x128xf32, #tpu.memory_space<hbm>>) target(%arg8 : memref<128x128xf32, #tpu.memory_space<vmem>>) offsets(%dma_start3A_165 : memref<128xi32, #tpu.memory_space<vmem>>) semaphore(%arg11 : memref<!tpu.dma_semaphore, #tpu.memory_space<semaphore_mem>>)
      %dma_wait3A_169 = arith.constant 1 : i32
      %dma_wait3A_170 = arith.constant 0 : i32
      %dma_wait3A_171 = tpu.memref_slice %arg6[%select_n3A_123, %dma_wait3A_169, %dma_wait3A_170] : memref<2x16x128xi32, #tpu.memory_space<vmem>> -> memref<1x1x128xi32, #tpu.memory_space<vmem>>
      %dma_wait3A_172 = tpu.memref_squeeze %dma_wait3A_171 : memref<1x1x128xi32, #tpu.memory_space<vmem>> -> memref<128xi32, #tpu.memory_space<vmem>>
      %dma_wait3A_173 = arith.constant 0 : i32
      %dma_wait3A_174 = arith.constant 0 : i32
      %dma_wait3A_175 = tpu.memref_slice %arg2[%dma_wait3A_173, %dma_wait3A_174] : memref<10000x128xf32, #tpu.memory_space<hbm>> -> memref<10000x128xf32, #tpu.memory_space<hbm>>
      tpu.wait_indirect_dma semaphore(%arg12 : memref<!tpu.dma_semaphore, #tpu.memory_space<semaphore_mem>>) src(%dma_wait3A_175 : memref<10000x128xf32, #tpu.memory_space<hbm>>) dst(%arg9 : memref<128x128xf32, #tpu.memory_space<vmem>>)
      %dma_start3A_176 = arith.constant 1 : i32
      %dma_start3A_177 = arith.constant 0 : i32
      %dma_start3A_178 = tpu.memref_slice %arg7[%select_n3A_123, %dma_start3A_176, %dma_start3A_177] : memref<2x16x128xi32, #tpu.memory_space<vmem>> -> memref<1x1x128xi32, #tpu.memory_space<vmem>>
      %dma_start3A_179 = tpu.memref_squeeze %dma_start3A_178 : memref<1x1x128xi32, #tpu.memory_space<vmem>> -> memref<128xi32, #tpu.memory_space<vmem>>
      %dma_start3A_180 = arith.constant 0 : i32
      %dma_start3A_181 = arith.constant 0 : i32
      %dma_start3A_182 = tpu.memref_slice %arg10[%dma_start3A_180, %dma_start3A_181] : memref<10112x128xf32, #tpu.memory_space<vmem_shared>> -> memref<10112x128xf32, #tpu.memory_space<vmem_shared>>
      tpu.enqueue_indirect_dma source(%arg9 : memref<128x128xf32, #tpu.memory_space<vmem>>) target(%dma_start3A_182 : memref<10112x128xf32, #tpu.memory_space<vmem_shared>>) offsets(%dma_start3A_179 : memref<128xi32, #tpu.memory_space<vmem>>) semaphore(%arg14 : memref<!tpu.dma_semaphore, #tpu.memory_space<semaphore_mem>>) {add = true}
      %dma_wait3A_183 = arith.constant 1 : i32
      %dma_wait3A_184 = arith.constant 0 : i32
      %dma_wait3A_185 = tpu.memref_slice %arg7[%select_n3A_123, %dma_wait3A_183, %dma_wait3A_184] : memref<2x16x128xi32, #tpu.memory_space<vmem>> -> memref<1x1x128xi32, #tpu.memory_space<vmem>>
      %dma_wait3A_186 = tpu.memref_squeeze %dma_wait3A_185 : memref<1x1x128xi32, #tpu.memory_space<vmem>> -> memref<128xi32, #tpu.memory_space<vmem>>
      %dma_wait3A_187 = arith.constant 0 : i32
      %dma_wait3A_188 = arith.constant 0 : i32
      %dma_wait3A_189 = tpu.memref_slice %arg10[%dma_wait3A_187, %dma_wait3A_188] : memref<10112x128xf32, #tpu.memory_space<vmem_shared>> -> memref<10112x128xf32, #tpu.memory_space<vmem_shared>>
      tpu.wait_indirect_dma semaphore(%arg14 : memref<!tpu.dma_semaphore, #tpu.memory_space<semaphore_mem>>) src(%arg9 : memref<128x128xf32, #tpu.memory_space<vmem>>) dst(%dma_wait3A_189 : memref<10112x128xf32, #tpu.memory_space<vmem_shared>>)
      %dma_start3A_190 = arith.constant 3 : i32
      %dma_start3A_191 = arith.constant 0 : i32
      %dma_start3A_192 = tpu.memref_slice %arg6[%select_n3A_123, %dma_start3A_190, %dma_start3A_191] : memref<2x16x128xi32, #tpu.memory_space<vmem>> -> memref<1x1x128xi32, #tpu.memory_space<vmem>>
      %dma_start3A_193 = tpu.memref_squeeze %dma_start3A_192 : memref<1x1x128xi32, #tpu.memory_space<vmem>> -> memref<128xi32, #tpu.memory_space<vmem>>
      %dma_start3A_194 = arith.constant 0 : i32
      %dma_start3A_195 = arith.constant 0 : i32
      %dma_start3A_196 = tpu.memref_slice %arg2[%dma_start3A_194, %dma_start3A_195] : memref<10000x128xf32, #tpu.memory_space<hbm>> -> memref<10000x128xf32, #tpu.memory_space<hbm>>
      tpu.enqueue_indirect_dma source(%dma_start3A_196 : memref<10000x128xf32, #tpu.memory_space<hbm>>) target(%arg9 : memref<128x128xf32, #tpu.memory_space<vmem>>) offsets(%dma_start3A_193 : memref<128xi32, #tpu.memory_space<vmem>>) semaphore(%arg12 : memref<!tpu.dma_semaphore, #tpu.memory_space<semaphore_mem>>)
      %dma_wait3A_197 = arith.constant 2 : i32
      %dma_wait3A_198 = arith.constant 0 : i32
      %dma_wait3A_199 = tpu.memref_slice %arg6[%select_n3A_123, %dma_wait3A_197, %dma_wait3A_198] : memref<2x16x128xi32, #tpu.memory_space<vmem>> -> memref<1x1x128xi32, #tpu.memory_space<vmem>>
      %dma_wait3A_200 = tpu.memref_squeeze %dma_wait3A_199 : memref<1x1x128xi32, #tpu.memory_space<vmem>> -> memref<128xi32, #tpu.memory_space<vmem>>
      %dma_wait3A_201 = arith.constant 0 : i32
      %dma_wait3A_202 = arith.constant 0 : i32
      %dma_wait3A_203 = tpu.memref_slice %arg2[%dma_wait3A_201, %dma_wait3A_202] : memref<10000x128xf32, #tpu.memory_space<hbm>> -> memref<10000x128xf32, #tpu.memory_space<hbm>>
      tpu.wait_indirect_dma semaphore(%arg11 : memref<!tpu.dma_semaphore, #tpu.memory_space<semaphore_mem>>) src(%dma_wait3A_203 : memref<10000x128xf32, #tpu.memory_space<hbm>>) dst(%arg8 : memref<128x128xf32, #tpu.memory_space<vmem>>)
      %dma_start3A_204 = arith.constant 2 : i32
      %dma_start3A_205 = arith.constant 0 : i32
      %dma_start3A_206 = tpu.memref_slice %arg7[%select_n3A_123, %dma_start3A_204, %dma_start3A_205] : memref<2x16x128xi32, #tpu.memory_space<vmem>> -> memref<1x1x128xi32, #tpu.memory_space<vmem>>
      %dma_start3A_207 = tpu.memref_squeeze %dma_start3A_206 : memref<1x1x128xi32, #tpu.memory_space<vmem>> -> memref<128xi32, #tpu.memory_space<vmem>>
      %dma_start3A_208 = arith.constant 0 : i32
      %dma_start3A_209 = arith.constant 0 : i32
      %dma_start3A_210 = tpu.memref_slice %arg10[%dma_start3A_208, %dma_start3A_209] : memref<10112x128xf32, #tpu.memory_space<vmem_shared>> -> memref<10112x128xf32, #tpu.memory_space<vmem_shared>>
      tpu.enqueue_indirect_dma source(%arg8 : memref<128x128xf32, #tpu.memory_space<vmem>>) target(%dma_start3A_210 : memref<10112x128xf32, #tpu.memory_space<vmem_shared>>) offsets(%dma_start3A_207 : memref<128xi32, #tpu.memory_space<vmem>>) semaphore(%arg13 : memref<!tpu.dma_semaphore, #tpu.memory_space<semaphore_mem>>) {add = true}
      %dma_wait3A_211 = arith.constant 2 : i32
      %dma_wait3A_212 = arith.constant 0 : i32
      %dma_wait3A_213 = tpu.memref_slice %arg7[%select_n3A_123, %dma_wait3A_211, %dma_wait3A_212] : memref<2x16x128xi32, #tpu.memory_space<vmem>> -> memref<1x1x128xi32, #tpu.memory_space<vmem>>
      %dma_wait3A_214 = tpu.memref_squeeze %dma_wait3A_213 : memref<1x1x128xi32, #tpu.memory_space<vmem>> -> memref<128xi32, #tpu.memory_space<vmem>>
      %dma_wait3A_215 = arith.constant 0 : i32
      %dma_wait3A_216 = arith.constant 0 : i32
      %dma_wait3A_217 = tpu.memref_slice %arg10[%dma_wait3A_215, %dma_wait3A_216] : memref<10112x128xf32, #tpu.memory_space<vmem_shared>> -> memref<10112x128xf32, #tpu.memory_space<vmem_shared>>
      tpu.wait_indirect_dma semaphore(%arg13 : memref<!tpu.dma_semaphore, #tpu.memory_space<semaphore_mem>>) src(%arg8 : memref<128x128xf32, #tpu.memory_space<vmem>>) dst(%dma_wait3A_217 : memref<10112x128xf32, #tpu.memory_space<vmem_shared>>)
      %dma_start3A_218 = arith.constant 4 : i32
      %dma_start3A_219 = arith.constant 0 : i32
      %dma_start3A_220 = tpu.memref_slice %arg6[%select_n3A_123, %dma_start3A_218, %dma_start3A_219] : memref<2x16x128xi32, #tpu.memory_space<vmem>> -> memref<1x1x128xi32, #tpu.memory_space<vmem>>
      %dma_start3A_221 = tpu.memref_squeeze %dma_start3A_220 : memref<1x1x128xi32, #tpu.memory_space<vmem>> -> memref<128xi32, #tpu.memory_space<vmem>>
      %dma_start3A_222 = arith.constant 0 : i32
      %dma_start3A_223 = arith.constant 0 : i32
      %dma_start3A_224 = tpu.memref_slice %arg2[%dma_start3A_222, %dma_start3A_223] : memref<10000x128xf32, #tpu.memory_space<hbm>> -> memref<10000x128xf32, #tpu.memory_space<hbm>>
      tpu.enqueue_indirect_dma source(%dma_start3A_224 : memref<10000x128xf32, #tpu.memory_space<hbm>>) target(%arg8 : memref<128x128xf32, #tpu.memory_space<vmem>>) offsets(%dma_start3A_221 : memref<128xi32, #tpu.memory_space<vmem>>) semaphore(%arg11 : memref<!tpu.dma_semaphore, #tpu.memory_space<semaphore_mem>>)
      %dma_wait3A_225 = arith.constant 3 : i32
      %dma_wait3A_226 = arith.constant 0 : i32
      %dma_wait3A_227 = tpu.memref_slice %arg6[%select_n3A_123, %dma_wait3A_225, %dma_wait3A_226] : memref<2x16x128xi32, #tpu.memory_space<vmem>> -> memref<1x1x128xi32, #tpu.memory_space<vmem>>
      %dma_wait3A_228 = tpu.memref_squeeze %dma_wait3A_227 : memref<1x1x128xi32, #tpu.memory_space<vmem>> -> memref<128xi32, #tpu.memory_space<vmem>>
      %dma_wait3A_229 = arith.constant 0 : i32
      %dma_wait3A_230 = arith.constant 0 : i32
      %dma_wait3A_231 = tpu.memref_slice %arg2[%dma_wait3A_229, %dma_wait3A_230] : memref<10000x128xf32, #tpu.memory_space<hbm>> -> memref<10000x128xf32, #tpu.memory_space<hbm>>
      tpu.wait_indirect_dma semaphore(%arg12 : memref<!tpu.dma_semaphore, #tpu.memory_space<semaphore_mem>>) src(%dma_wait3A_231 : memref<10000x128xf32, #tpu.memory_space<hbm>>) dst(%arg9 : memref<128x128xf32, #tpu.memory_space<vmem>>)
      %dma_start3A_232 = arith.constant 3 : i32
      %dma_start3A_233 = arith.constant 0 : i32
      %dma_start3A_234 = tpu.memref_slice %arg7[%select_n3A_123, %dma_start3A_232, %dma_start3A_233] : memref<2x16x128xi32, #tpu.memory_space<vmem>> -> memref<1x1x128xi32, #tpu.memory_space<vmem>>
      %dma_start3A_235 = tpu.memref_squeeze %dma_start3A_234 : memref<1x1x128xi32, #tpu.memory_space<vmem>> -> memref<128xi32, #tpu.memory_space<vmem>>
      %dma_start3A_236 = arith.constant 0 : i32
      %dma_start3A_237 = arith.constant 0 : i32
      %dma_start3A_238 = tpu.memref_slice %arg10[%dma_start3A_236, %dma_start3A_237] : memref<10112x128xf32, #tpu.memory_space<vmem_shared>> -> memref<10112x128xf32, #tpu.memory_space<vmem_shared>>
      tpu.enqueue_indirect_dma source(%arg9 : memref<128x128xf32, #tpu.memory_space<vmem>>) target(%dma_start3A_238 : memref<10112x128xf32, #tpu.memory_space<vmem_shared>>) offsets(%dma_start3A_235 : memref<128xi32, #tpu.memory_space<vmem>>) semaphore(%arg14 : memref<!tpu.dma_semaphore, #tpu.memory_space<semaphore_mem>>) {add = true}
      %dma_wait3A_239 = arith.constant 3 : i32
      %dma_wait3A_240 = arith.constant 0 : i32
      %dma_wait3A_241 = tpu.memref_slice %arg7[%select_n3A_123, %dma_wait3A_239, %dma_wait3A_240] : memref<2x16x128xi32, #tpu.memory_space<vmem>> -> memref<1x1x128xi32, #tpu.memory_space<vmem>>
      %dma_wait3A_242 = tpu.memref_squeeze %dma_wait3A_241 : memref<1x1x128xi32, #tpu.memory_space<vmem>> -> memref<128xi32, #tpu.memory_space<vmem>>
      %dma_wait3A_243 = arith.constant 0 : i32
      %dma_wait3A_244 = arith.constant 0 : i32
      %dma_wait3A_245 = tpu.memref_slice %arg10[%dma_wait3A_243, %dma_wait3A_244] : memref<10112x128xf32, #tpu.memory_space<vmem_shared>> -> memref<10112x128xf32, #tpu.memory_space<vmem_shared>>
      tpu.wait_indirect_dma semaphore(%arg14 : memref<!tpu.dma_semaphore, #tpu.memory_space<semaphore_mem>>) src(%arg9 : memref<128x128xf32, #tpu.memory_space<vmem>>) dst(%dma_wait3A_245 : memref<10112x128xf32, #tpu.memory_space<vmem_shared>>)
      %dma_start3A_246 = arith.constant 5 : i32
      %dma_start3A_247 = arith.constant 0 : i32
      %dma_start3A_248 = tpu.memref_slice %arg6[%select_n3A_123, %dma_start3A_246, %dma_start3A_247] : memref<2x16x128xi32, #tpu.memory_space<vmem>> -> memref<1x1x128xi32, #tpu.memory_space<vmem>>
      %dma_start3A_249 = tpu.memref_squeeze %dma_start3A_248 : memref<1x1x128xi32, #tpu.memory_space<vmem>> -> memref<128xi32, #tpu.memory_space<vmem>>
      %dma_start3A_250 = arith.constant 0 : i32
      %dma_start3A_251 = arith.constant 0 : i32
      %dma_start3A_252 = tpu.memref_slice %arg2[%dma_start3A_250, %dma_start3A_251] : memref<10000x128xf32, #tpu.memory_space<hbm>> -> memref<10000x128xf32, #tpu.memory_space<hbm>>
      tpu.enqueue_indirect_dma source(%dma_start3A_252 : memref<10000x128xf32, #tpu.memory_space<hbm>>) target(%arg9 : memref<128x128xf32, #tpu.memory_space<vmem>>) offsets(%dma_start3A_249 : memref<128xi32, #tpu.memory_space<vmem>>) semaphore(%arg12 : memref<!tpu.dma_semaphore, #tpu.memory_space<semaphore_mem>>)
      %dma_wait3A_253 = arith.constant 4 : i32
      %dma_wait3A_254 = arith.constant 0 : i32
      %dma_wait3A_255 = tpu.memref_slice %arg6[%select_n3A_123, %dma_wait3A_253, %dma_wait3A_254] : memref<2x16x128xi32, #tpu.memory_space<vmem>> -> memref<1x1x128xi32, #tpu.memory_space<vmem>>
      %dma_wait3A_256 = tpu.memref_squeeze %dma_wait3A_255 : memref<1x1x128xi32, #tpu.memory_space<vmem>> -> memref<128xi32, #tpu.memory_space<vmem>>
      %dma_wait3A_257 = arith.constant 0 : i32
      %dma_wait3A_258 = arith.constant 0 : i32
      %dma_wait3A_259 = tpu.memref_slice %arg2[%dma_wait3A_257, %dma_wait3A_258] : memref<10000x128xf32, #tpu.memory_space<hbm>> -> memref<10000x128xf32, #tpu.memory_space<hbm>>
      tpu.wait_indirect_dma semaphore(%arg11 : memref<!tpu.dma_semaphore, #tpu.memory_space<semaphore_mem>>) src(%dma_wait3A_259 : memref<10000x128xf32, #tpu.memory_space<hbm>>) dst(%arg8 : memref<128x128xf32, #tpu.memory_space<vmem>>)
      %dma_start3A_260 = arith.constant 4 : i32
      %dma_start3A_261 = arith.constant 0 : i32
      %dma_start3A_262 = tpu.memref_slice %arg7[%select_n3A_123, %dma_start3A_260, %dma_start3A_261] : memref<2x16x128xi32, #tpu.memory_space<vmem>> -> memref<1x1x128xi32, #tpu.memory_space<vmem>>
      %dma_start3A_263 = tpu.memref_squeeze %dma_start3A_262 : memref<1x1x128xi32, #tpu.memory_space<vmem>> -> memref<128xi32, #tpu.memory_space<vmem>>
      %dma_start3A_264 = arith.constant 0 : i32
      %dma_start3A_265 = arith.constant 0 : i32
      %dma_start3A_266 = tpu.memref_slice %arg10[%dma_start3A_264, %dma_start3A_265] : memref<10112x128xf32, #tpu.memory_space<vmem_shared>> -> memref<10112x128xf32, #tpu.memory_space<vmem_shared>>
      tpu.enqueue_indirect_dma source(%arg8 : memref<128x128xf32, #tpu.memory_space<vmem>>) target(%dma_start3A_266 : memref<10112x128xf32, #tpu.memory_space<vmem_shared>>) offsets(%dma_start3A_263 : memref<128xi32, #tpu.memory_space<vmem>>) semaphore(%arg13 : memref<!tpu.dma_semaphore, #tpu.memory_space<semaphore_mem>>) {add = true}
      %dma_wait3A_267 = arith.constant 4 : i32
      %dma_wait3A_268 = arith.constant 0 : i32
      %dma_wait3A_269 = tpu.memref_slice %arg7[%select_n3A_123, %dma_wait3A_267, %dma_wait3A_268] : memref<2x16x128xi32, #tpu.memory_space<vmem>> -> memref<1x1x128xi32, #tpu.memory_space<vmem>>
      %dma_wait3A_270 = tpu.memref_squeeze %dma_wait3A_269 : memref<1x1x128xi32, #tpu.memory_space<vmem>> -> memref<128xi32, #tpu.memory_space<vmem>>
      %dma_wait3A_271 = arith.constant 0 : i32
      %dma_wait3A_272 = arith.constant 0 : i32
      %dma_wait3A_273 = tpu.memref_slice %arg10[%dma_wait3A_271, %dma_wait3A_272] : memref<10112x128xf32, #tpu.memory_space<vmem_shared>> -> memref<10112x128xf32, #tpu.memory_space<vmem_shared>>
      tpu.wait_indirect_dma semaphore(%arg13 : memref<!tpu.dma_semaphore, #tpu.memory_space<semaphore_mem>>) src(%arg8 : memref<128x128xf32, #tpu.memory_space<vmem>>) dst(%dma_wait3A_273 : memref<10112x128xf32, #tpu.memory_space<vmem_shared>>)
      %dma_start3A_274 = arith.constant 6 : i32
      %dma_start3A_275 = arith.constant 0 : i32
      %dma_start3A_276 = tpu.memref_slice %arg6[%select_n3A_123, %dma_start3A_274, %dma_start3A_275] : memref<2x16x128xi32, #tpu.memory_space<vmem>> -> memref<1x1x128xi32, #tpu.memory_space<vmem>>
      %dma_start3A_277 = tpu.memref_squeeze %dma_start3A_276 : memref<1x1x128xi32, #tpu.memory_space<vmem>> -> memref<128xi32, #tpu.memory_space<vmem>>
      %dma_start3A_278 = arith.constant 0 : i32
      %dma_start3A_279 = arith.constant 0 : i32
      %dma_start3A_280 = tpu.memref_slice %arg2[%dma_start3A_278, %dma_start3A_279] : memref<10000x128xf32, #tpu.memory_space<hbm>> -> memref<10000x128xf32, #tpu.memory_space<hbm>>
      tpu.enqueue_indirect_dma source(%dma_start3A_280 : memref<10000x128xf32, #tpu.memory_space<hbm>>) target(%arg8 : memref<128x128xf32, #tpu.memory_space<vmem>>) offsets(%dma_start3A_277 : memref<128xi32, #tpu.memory_space<vmem>>) semaphore(%arg11 : memref<!tpu.dma_semaphore, #tpu.memory_space<semaphore_mem>>)
      %dma_wait3A_281 = arith.constant 5 : i32
      %dma_wait3A_282 = arith.constant 0 : i32
      %dma_wait3A_283 = tpu.memref_slice %arg6[%select_n3A_123, %dma_wait3A_281, %dma_wait3A_282] : memref<2x16x128xi32, #tpu.memory_space<vmem>> -> memref<1x1x128xi32, #tpu.memory_space<vmem>>
      %dma_wait3A_284 = tpu.memref_squeeze %dma_wait3A_283 : memref<1x1x128xi32, #tpu.memory_space<vmem>> -> memref<128xi32, #tpu.memory_space<vmem>>
      %dma_wait3A_285 = arith.constant 0 : i32
      %dma_wait3A_286 = arith.constant 0 : i32
      %dma_wait3A_287 = tpu.memref_slice %arg2[%dma_wait3A_285, %dma_wait3A_286] : memref<10000x128xf32, #tpu.memory_space<hbm>> -> memref<10000x128xf32, #tpu.memory_space<hbm>>
      tpu.wait_indirect_dma semaphore(%arg12 : memref<!tpu.dma_semaphore, #tpu.memory_space<semaphore_mem>>) src(%dma_wait3A_287 : memref<10000x128xf32, #tpu.memory_space<hbm>>) dst(%arg9 : memref<128x128xf32, #tpu.memory_space<vmem>>)
      %dma_start3A_288 = arith.constant 5 : i32
      %dma_start3A_289 = arith.constant 0 : i32
      %dma_start3A_290 = tpu.memref_slice %arg7[%select_n3A_123, %dma_start3A_288, %dma_start3A_289] : memref<2x16x128xi32, #tpu.memory_space<vmem>> -> memref<1x1x128xi32, #tpu.memory_space<vmem>>
      %dma_start3A_291 = tpu.memref_squeeze %dma_start3A_290 : memref<1x1x128xi32, #tpu.memory_space<vmem>> -> memref<128xi32, #tpu.memory_space<vmem>>
      %dma_start3A_292 = arith.constant 0 : i32
      %dma_start3A_293 = arith.constant 0 : i32
      %dma_start3A_294 = tpu.memref_slice %arg10[%dma_start3A_292, %dma_start3A_293] : memref<10112x128xf32, #tpu.memory_space<vmem_shared>> -> memref<10112x128xf32, #tpu.memory_space<vmem_shared>>
      tpu.enqueue_indirect_dma source(%arg9 : memref<128x128xf32, #tpu.memory_space<vmem>>) target(%dma_start3A_294 : memref<10112x128xf32, #tpu.memory_space<vmem_shared>>) offsets(%dma_start3A_291 : memref<128xi32, #tpu.memory_space<vmem>>) semaphore(%arg14 : memref<!tpu.dma_semaphore, #tpu.memory_space<semaphore_mem>>) {add = true}
      %dma_wait3A_295 = arith.constant 5 : i32
      %dma_wait3A_296 = arith.constant 0 : i32
      %dma_wait3A_297 = tpu.memref_slice %arg7[%select_n3A_123, %dma_wait3A_295, %dma_wait3A_296] : memref<2x16x128xi32, #tpu.memory_space<vmem>> -> memref<1x1x128xi32, #tpu.memory_space<vmem>>
      %dma_wait3A_298 = tpu.memref_squeeze %dma_wait3A_297 : memref<1x1x128xi32, #tpu.memory_space<vmem>> -> memref<128xi32, #tpu.memory_space<vmem>>
      %dma_wait3A_299 = arith.constant 0 : i32
      %dma_wait3A_300 = arith.constant 0 : i32
      %dma_wait3A_301 = tpu.memref_slice %arg10[%dma_wait3A_299, %dma_wait3A_300] : memref<10112x128xf32, #tpu.memory_space<vmem_shared>> -> memref<10112x128xf32, #tpu.memory_space<vmem_shared>>
      tpu.wait_indirect_dma semaphore(%arg14 : memref<!tpu.dma_semaphore, #tpu.memory_space<semaphore_mem>>) src(%arg9 : memref<128x128xf32, #tpu.memory_space<vmem>>) dst(%dma_wait3A_301 : memref<10112x128xf32, #tpu.memory_space<vmem_shared>>)
      %dma_start3A_302 = arith.constant 7 : i32
      %dma_start3A_303 = arith.constant 0 : i32
      %dma_start3A_304 = tpu.memref_slice %arg6[%select_n3A_123, %dma_start3A_302, %dma_start3A_303] : memref<2x16x128xi32, #tpu.memory_space<vmem>> -> memref<1x1x128xi32, #tpu.memory_space<vmem>>
      %dma_start3A_305 = tpu.memref_squeeze %dma_start3A_304 : memref<1x1x128xi32, #tpu.memory_space<vmem>> -> memref<128xi32, #tpu.memory_space<vmem>>
      %dma_start3A_306 = arith.constant 0 : i32
      %dma_start3A_307 = arith.constant 0 : i32
      %dma_start3A_308 = tpu.memref_slice %arg2[%dma_start3A_306, %dma_start3A_307] : memref<10000x128xf32, #tpu.memory_space<hbm>> -> memref<10000x128xf32, #tpu.memory_space<hbm>>
      tpu.enqueue_indirect_dma source(%dma_start3A_308 : memref<10000x128xf32, #tpu.memory_space<hbm>>) target(%arg9 : memref<128x128xf32, #tpu.memory_space<vmem>>) offsets(%dma_start3A_305 : memref<128xi32, #tpu.memory_space<vmem>>) semaphore(%arg12 : memref<!tpu.dma_semaphore, #tpu.memory_space<semaphore_mem>>)
      %dma_wait3A_309 = arith.constant 6 : i32
      %dma_wait3A_310 = arith.constant 0 : i32
      %dma_wait3A_311 = tpu.memref_slice %arg6[%select_n3A_123, %dma_wait3A_309, %dma_wait3A_310] : memref<2x16x128xi32, #tpu.memory_space<vmem>> -> memref<1x1x128xi32, #tpu.memory_space<vmem>>
      %dma_wait3A_312 = tpu.memref_squeeze %dma_wait3A_311 : memref<1x1x128xi32, #tpu.memory_space<vmem>> -> memref<128xi32, #tpu.memory_space<vmem>>
      %dma_wait3A_313 = arith.constant 0 : i32
      %dma_wait3A_314 = arith.constant 0 : i32
      %dma_wait3A_315 = tpu.memref_slice %arg2[%dma_wait3A_313, %dma_wait3A_314] : memref<10000x128xf32, #tpu.memory_space<hbm>> -> memref<10000x128xf32, #tpu.memory_space<hbm>>
      tpu.wait_indirect_dma semaphore(%arg11 : memref<!tpu.dma_semaphore, #tpu.memory_space<semaphore_mem>>) src(%dma_wait3A_315 : memref<10000x128xf32, #tpu.memory_space<hbm>>) dst(%arg8 : memref<128x128xf32, #tpu.memory_space<vmem>>)
      %dma_start3A_316 = arith.constant 6 : i32
      %dma_start3A_317 = arith.constant 0 : i32
      %dma_start3A_318 = tpu.memref_slice %arg7[%select_n3A_123, %dma_start3A_316, %dma_start3A_317] : memref<2x16x128xi32, #tpu.memory_space<vmem>> -> memref<1x1x128xi32, #tpu.memory_space<vmem>>
      %dma_start3A_319 = tpu.memref_squeeze %dma_start3A_318 : memref<1x1x128xi32, #tpu.memory_space<vmem>> -> memref<128xi32, #tpu.memory_space<vmem>>
      %dma_start3A_320 = arith.constant 0 : i32
      %dma_start3A_321 = arith.constant 0 : i32
      %dma_start3A_322 = tpu.memref_slice %arg10[%dma_start3A_320, %dma_start3A_321] : memref<10112x128xf32, #tpu.memory_space<vmem_shared>> -> memref<10112x128xf32, #tpu.memory_space<vmem_shared>>
      tpu.enqueue_indirect_dma source(%arg8 : memref<128x128xf32, #tpu.memory_space<vmem>>) target(%dma_start3A_322 : memref<10112x128xf32, #tpu.memory_space<vmem_shared>>) offsets(%dma_start3A_319 : memref<128xi32, #tpu.memory_space<vmem>>) semaphore(%arg13 : memref<!tpu.dma_semaphore, #tpu.memory_space<semaphore_mem>>) {add = true}
      %dma_wait3A_323 = arith.constant 6 : i32
      %dma_wait3A_324 = arith.constant 0 : i32
      %dma_wait3A_325 = tpu.memref_slice %arg7[%select_n3A_123, %dma_wait3A_323, %dma_wait3A_324] : memref<2x16x128xi32, #tpu.memory_space<vmem>> -> memref<1x1x128xi32, #tpu.memory_space<vmem>>
      %dma_wait3A_326 = tpu.memref_squeeze %dma_wait3A_325 : memref<1x1x128xi32, #tpu.memory_space<vmem>> -> memref<128xi32, #tpu.memory_space<vmem>>
      %dma_wait3A_327 = arith.constant 0 : i32
      %dma_wait3A_328 = arith.constant 0 : i32
      %dma_wait3A_329 = tpu.memref_slice %arg10[%dma_wait3A_327, %dma_wait3A_328] : memref<10112x128xf32, #tpu.memory_space<vmem_shared>> -> memref<10112x128xf32, #tpu.memory_space<vmem_shared>>
      tpu.wait_indirect_dma semaphore(%arg13 : memref<!tpu.dma_semaphore, #tpu.memory_space<semaphore_mem>>) src(%arg8 : memref<128x128xf32, #tpu.memory_space<vmem>>) dst(%dma_wait3A_329 : memref<10112x128xf32, #tpu.memory_space<vmem_shared>>)
      %dma_start3A_330 = arith.constant 8 : i32
      %dma_start3A_331 = arith.constant 0 : i32
      %dma_start3A_332 = tpu.memref_slice %arg6[%select_n3A_123, %dma_start3A_330, %dma_start3A_331] : memref<2x16x128xi32, #tpu.memory_space<vmem>> -> memref<1x1x128xi32, #tpu.memory_space<vmem>>
      %dma_start3A_333 = tpu.memref_squeeze %dma_start3A_332 : memref<1x1x128xi32, #tpu.memory_space<vmem>> -> memref<128xi32, #tpu.memory_space<vmem>>
      %dma_start3A_334 = arith.constant 0 : i32
      %dma_start3A_335 = arith.constant 0 : i32
      %dma_start3A_336 = tpu.memref_slice %arg2[%dma_start3A_334, %dma_start3A_335] : memref<10000x128xf32, #tpu.memory_space<hbm>> -> memref<10000x128xf32, #tpu.memory_space<hbm>>
      tpu.enqueue_indirect_dma source(%dma_start3A_336 : memref<10000x128xf32, #tpu.memory_space<hbm>>) target(%arg8 : memref<128x128xf32, #tpu.memory_space<vmem>>) offsets(%dma_start3A_333 : memref<128xi32, #tpu.memory_space<vmem>>) semaphore(%arg11 : memref<!tpu.dma_semaphore, #tpu.memory_space<semaphore_mem>>)
      %dma_wait3A_337 = arith.constant 7 : i32
      %dma_wait3A_338 = arith.constant 0 : i32
      %dma_wait3A_339 = tpu.memref_slice %arg6[%select_n3A_123, %dma_wait3A_337, %dma_wait3A_338] : memref<2x16x128xi32, #tpu.memory_space<vmem>> -> memref<1x1x128xi32, #tpu.memory_space<vmem>>
      %dma_wait3A_340 = tpu.memref_squeeze %dma_wait3A_339 : memref<1x1x128xi32, #tpu.memory_space<vmem>> -> memref<128xi32, #tpu.memory_space<vmem>>
      %dma_wait3A_341 = arith.constant 0 : i32
      %dma_wait3A_342 = arith.constant 0 : i32
      %dma_wait3A_343 = tpu.memref_slice %arg2[%dma_wait3A_341, %dma_wait3A_342] : memref<10000x128xf32, #tpu.memory_space<hbm>> -> memref<10000x128xf32, #tpu.memory_space<hbm>>
      tpu.wait_indirect_dma semaphore(%arg12 : memref<!tpu.dma_semaphore, #tpu.memory_space<semaphore_mem>>) src(%dma_wait3A_343 : memref<10000x128xf32, #tpu.memory_space<hbm>>) dst(%arg9 : memref<128x128xf32, #tpu.memory_space<vmem>>)
      %dma_start3A_344 = arith.constant 7 : i32
      %dma_start3A_345 = arith.constant 0 : i32
      %dma_start3A_346 = tpu.memref_slice %arg7[%select_n3A_123, %dma_start3A_344, %dma_start3A_345] : memref<2x16x128xi32, #tpu.memory_space<vmem>> -> memref<1x1x128xi32, #tpu.memory_space<vmem>>
      %dma_start3A_347 = tpu.memref_squeeze %dma_start3A_346 : memref<1x1x128xi32, #tpu.memory_space<vmem>> -> memref<128xi32, #tpu.memory_space<vmem>>
      %dma_start3A_348 = arith.constant 0 : i32
      %dma_start3A_349 = arith.constant 0 : i32
      %dma_start3A_350 = tpu.memref_slice %arg10[%dma_start3A_348, %dma_start3A_349] : memref<10112x128xf32, #tpu.memory_space<vmem_shared>> -> memref<10112x128xf32, #tpu.memory_space<vmem_shared>>
      tpu.enqueue_indirect_dma source(%arg9 : memref<128x128xf32, #tpu.memory_space<vmem>>) target(%dma_start3A_350 : memref<10112x128xf32, #tpu.memory_space<vmem_shared>>) offsets(%dma_start3A_347 : memref<128xi32, #tpu.memory_space<vmem>>) semaphore(%arg14 : memref<!tpu.dma_semaphore, #tpu.memory_space<semaphore_mem>>) {add = true}
      %dma_wait3A_351 = arith.constant 7 : i32
      %dma_wait3A_352 = arith.constant 0 : i32
      %dma_wait3A_353 = tpu.memref_slice %arg7[%select_n3A_123, %dma_wait3A_351, %dma_wait3A_352] : memref<2x16x128xi32, #tpu.memory_space<vmem>> -> memref<1x1x128xi32, #tpu.memory_space<vmem>>
      %dma_wait3A_354 = tpu.memref_squeeze %dma_wait3A_353 : memref<1x1x128xi32, #tpu.memory_space<vmem>> -> memref<128xi32, #tpu.memory_space<vmem>>
      %dma_wait3A_355 = arith.constant 0 : i32
      %dma_wait3A_356 = arith.constant 0 : i32
      %dma_wait3A_357 = tpu.memref_slice %arg10[%dma_wait3A_355, %dma_wait3A_356] : memref<10112x128xf32, #tpu.memory_space<vmem_shared>> -> memref<10112x128xf32, #tpu.memory_space<vmem_shared>>
      tpu.wait_indirect_dma semaphore(%arg14 : memref<!tpu.dma_semaphore, #tpu.memory_space<semaphore_mem>>) src(%arg9 : memref<128x128xf32, #tpu.memory_space<vmem>>) dst(%dma_wait3A_357 : memref<10112x128xf32, #tpu.memory_space<vmem_shared>>)
      %dma_start3A_358 = arith.constant 9 : i32
      %dma_start3A_359 = arith.constant 0 : i32
      %dma_start3A_360 = tpu.memref_slice %arg6[%select_n3A_123, %dma_start3A_358, %dma_start3A_359] : memref<2x16x128xi32, #tpu.memory_space<vmem>> -> memref<1x1x128xi32, #tpu.memory_space<vmem>>
      %dma_start3A_361 = tpu.memref_squeeze %dma_start3A_360 : memref<1x1x128xi32, #tpu.memory_space<vmem>> -> memref<128xi32, #tpu.memory_space<vmem>>
      %dma_start3A_362 = arith.constant 0 : i32
      %dma_start3A_363 = arith.constant 0 : i32
      %dma_start3A_364 = tpu.memref_slice %arg2[%dma_start3A_362, %dma_start3A_363] : memref<10000x128xf32, #tpu.memory_space<hbm>> -> memref<10000x128xf32, #tpu.memory_space<hbm>>
      tpu.enqueue_indirect_dma source(%dma_start3A_364 : memref<10000x128xf32, #tpu.memory_space<hbm>>) target(%arg9 : memref<128x128xf32, #tpu.memory_space<vmem>>) offsets(%dma_start3A_361 : memref<128xi32, #tpu.memory_space<vmem>>) semaphore(%arg12 : memref<!tpu.dma_semaphore, #tpu.memory_space<semaphore_mem>>)
      %dma_wait3A_365 = arith.constant 8 : i32
      %dma_wait3A_366 = arith.constant 0 : i32
      %dma_wait3A_367 = tpu.memref_slice %arg6[%select_n3A_123, %dma_wait3A_365, %dma_wait3A_366] : memref<2x16x128xi32, #tpu.memory_space<vmem>> -> memref<1x1x128xi32, #tpu.memory_space<vmem>>
      %dma_wait3A_368 = tpu.memref_squeeze %dma_wait3A_367 : memref<1x1x128xi32, #tpu.memory_space<vmem>> -> memref<128xi32, #tpu.memory_space<vmem>>
      %dma_wait3A_369 = arith.constant 0 : i32
      %dma_wait3A_370 = arith.constant 0 : i32
      %dma_wait3A_371 = tpu.memref_slice %arg2[%dma_wait3A_369, %dma_wait3A_370] : memref<10000x128xf32, #tpu.memory_space<hbm>> -> memref<10000x128xf32, #tpu.memory_space<hbm>>
      tpu.wait_indirect_dma semaphore(%arg11 : memref<!tpu.dma_semaphore, #tpu.memory_space<semaphore_mem>>) src(%dma_wait3A_371 : memref<10000x128xf32, #tpu.memory_space<hbm>>) dst(%arg8 : memref<128x128xf32, #tpu.memory_space<vmem>>)
      %dma_start3A_372 = arith.constant 8 : i32
      %dma_start3A_373 = arith.constant 0 : i32
      %dma_start3A_374 = tpu.memref_slice %arg7[%select_n3A_123, %dma_start3A_372, %dma_start3A_373] : memref<2x16x128xi32, #tpu.memory_space<vmem>> -> memref<1x1x128xi32, #tpu.memory_space<vmem>>
      %dma_start3A_375 = tpu.memref_squeeze %dma_start3A_374 : memref<1x1x128xi32, #tpu.memory_space<vmem>> -> memref<128xi32, #tpu.memory_space<vmem>>
      %dma_start3A_376 = arith.constant 0 : i32
      %dma_start3A_377 = arith.constant 0 : i32
      %dma_start3A_378 = tpu.memref_slice %arg10[%dma_start3A_376, %dma_start3A_377] : memref<10112x128xf32, #tpu.memory_space<vmem_shared>> -> memref<10112x128xf32, #tpu.memory_space<vmem_shared>>
      tpu.enqueue_indirect_dma source(%arg8 : memref<128x128xf32, #tpu.memory_space<vmem>>) target(%dma_start3A_378 : memref<10112x128xf32, #tpu.memory_space<vmem_shared>>) offsets(%dma_start3A_375 : memref<128xi32, #tpu.memory_space<vmem>>) semaphore(%arg13 : memref<!tpu.dma_semaphore, #tpu.memory_space<semaphore_mem>>) {add = true}
      %dma_wait3A_379 = arith.constant 8 : i32
      %dma_wait3A_380 = arith.constant 0 : i32
      %dma_wait3A_381 = tpu.memref_slice %arg7[%select_n3A_123, %dma_wait3A_379, %dma_wait3A_380] : memref<2x16x128xi32, #tpu.memory_space<vmem>> -> memref<1x1x128xi32, #tpu.memory_space<vmem>>
      %dma_wait3A_382 = tpu.memref_squeeze %dma_wait3A_381 : memref<1x1x128xi32, #tpu.memory_space<vmem>> -> memref<128xi32, #tpu.memory_space<vmem>>
      %dma_wait3A_383 = arith.constant 0 : i32
      %dma_wait3A_384 = arith.constant 0 : i32
      %dma_wait3A_385 = tpu.memref_slice %arg10[%dma_wait3A_383, %dma_wait3A_384] : memref<10112x128xf32, #tpu.memory_space<vmem_shared>> -> memref<10112x128xf32, #tpu.memory_space<vmem_shared>>
      tpu.wait_indirect_dma semaphore(%arg13 : memref<!tpu.dma_semaphore, #tpu.memory_space<semaphore_mem>>) src(%arg8 : memref<128x128xf32, #tpu.memory_space<vmem>>) dst(%dma_wait3A_385 : memref<10112x128xf32, #tpu.memory_space<vmem_shared>>)
      %dma_start3A_386 = arith.constant 10 : i32
      %dma_start3A_387 = arith.constant 0 : i32
      %dma_start3A_388 = tpu.memref_slice %arg6[%select_n3A_123, %dma_start3A_386, %dma_start3A_387] : memref<2x16x128xi32, #tpu.memory_space<vmem>> -> memref<1x1x128xi32, #tpu.memory_space<vmem>>
      %dma_start3A_389 = tpu.memref_squeeze %dma_start3A_388 : memref<1x1x128xi32, #tpu.memory_space<vmem>> -> memref<128xi32, #tpu.memory_space<vmem>>
      %dma_start3A_390 = arith.constant 0 : i32
      %dma_start3A_391 = arith.constant 0 : i32
      %dma_start3A_392 = tpu.memref_slice %arg2[%dma_start3A_390, %dma_start3A_391] : memref<10000x128xf32, #tpu.memory_space<hbm>> -> memref<10000x128xf32, #tpu.memory_space<hbm>>
      tpu.enqueue_indirect_dma source(%dma_start3A_392 : memref<10000x128xf32, #tpu.memory_space<hbm>>) target(%arg8 : memref<128x128xf32, #tpu.memory_space<vmem>>) offsets(%dma_start3A_389 : memref<128xi32, #tpu.memory_space<vmem>>) semaphore(%arg11 : memref<!tpu.dma_semaphore, #tpu.memory_space<semaphore_mem>>)
      %dma_wait3A_393 = arith.constant 9 : i32
      %dma_wait3A_394 = arith.constant 0 : i32
      %dma_wait3A_395 = tpu.memref_slice %arg6[%select_n3A_123, %dma_wait3A_393, %dma_wait3A_394] : memref<2x16x128xi32, #tpu.memory_space<vmem>> -> memref<1x1x128xi32, #tpu.memory_space<vmem>>
      %dma_wait3A_396 = tpu.memref_squeeze %dma_wait3A_395 : memref<1x1x128xi32, #tpu.memory_space<vmem>> -> memref<128xi32, #tpu.memory_space<vmem>>
      %dma_wait3A_397 = arith.constant 0 : i32
      %dma_wait3A_398 = arith.constant 0 : i32
      %dma_wait3A_399 = tpu.memref_slice %arg2[%dma_wait3A_397, %dma_wait3A_398] : memref<10000x128xf32, #tpu.memory_space<hbm>> -> memref<10000x128xf32, #tpu.memory_space<hbm>>
      tpu.wait_indirect_dma semaphore(%arg12 : memref<!tpu.dma_semaphore, #tpu.memory_space<semaphore_mem>>) src(%dma_wait3A_399 : memref<10000x128xf32, #tpu.memory_space<hbm>>) dst(%arg9 : memref<128x128xf32, #tpu.memory_space<vmem>>)
      %dma_start3A_400 = arith.constant 9 : i32
      %dma_start3A_401 = arith.constant 0 : i32
      %dma_start3A_402 = tpu.memref_slice %arg7[%select_n3A_123, %dma_start3A_400, %dma_start3A_401] : memref<2x16x128xi32, #tpu.memory_space<vmem>> -> memref<1x1x128xi32, #tpu.memory_space<vmem>>
      %dma_start3A_403 = tpu.memref_squeeze %dma_start3A_402 : memref<1x1x128xi32, #tpu.memory_space<vmem>> -> memref<128xi32, #tpu.memory_space<vmem>>
      %dma_start3A_404 = arith.constant 0 : i32
      %dma_start3A_405 = arith.constant 0 : i32
      %dma_start3A_406 = tpu.memref_slice %arg10[%dma_start3A_404, %dma_start3A_405] : memref<10112x128xf32, #tpu.memory_space<vmem_shared>> -> memref<10112x128xf32, #tpu.memory_space<vmem_shared>>
      tpu.enqueue_indirect_dma source(%arg9 : memref<128x128xf32, #tpu.memory_space<vmem>>) target(%dma_start3A_406 : memref<10112x128xf32, #tpu.memory_space<vmem_shared>>) offsets(%dma_start3A_403 : memref<128xi32, #tpu.memory_space<vmem>>) semaphore(%arg14 : memref<!tpu.dma_semaphore, #tpu.memory_space<semaphore_mem>>) {add = true}
      %dma_wait3A_407 = arith.constant 9 : i32
      %dma_wait3A_408 = arith.constant 0 : i32
      %dma_wait3A_409 = tpu.memref_slice %arg7[%select_n3A_123, %dma_wait3A_407, %dma_wait3A_408] : memref<2x16x128xi32, #tpu.memory_space<vmem>> -> memref<1x1x128xi32, #tpu.memory_space<vmem>>
      %dma_wait3A_410 = tpu.memref_squeeze %dma_wait3A_409 : memref<1x1x128xi32, #tpu.memory_space<vmem>> -> memref<128xi32, #tpu.memory_space<vmem>>
      %dma_wait3A_411 = arith.constant 0 : i32
      %dma_wait3A_412 = arith.constant 0 : i32
      %dma_wait3A_413 = tpu.memref_slice %arg10[%dma_wait3A_411, %dma_wait3A_412] : memref<10112x128xf32, #tpu.memory_space<vmem_shared>> -> memref<10112x128xf32, #tpu.memory_space<vmem_shared>>
      tpu.wait_indirect_dma semaphore(%arg14 : memref<!tpu.dma_semaphore, #tpu.memory_space<semaphore_mem>>) src(%arg9 : memref<128x128xf32, #tpu.memory_space<vmem>>) dst(%dma_wait3A_413 : memref<10112x128xf32, #tpu.memory_space<vmem_shared>>)
      %dma_start3A_414 = arith.constant 11 : i32
      %dma_start3A_415 = arith.constant 0 : i32
      %dma_start3A_416 = tpu.memref_slice %arg6[%select_n3A_123, %dma_start3A_414, %dma_start3A_415] : memref<2x16x128xi32, #tpu.memory_space<vmem>> -> memref<1x1x128xi32, #tpu.memory_space<vmem>>
      %dma_start3A_417 = tpu.memref_squeeze %dma_start3A_416 : memref<1x1x128xi32, #tpu.memory_space<vmem>> -> memref<128xi32, #tpu.memory_space<vmem>>
      %dma_start3A_418 = arith.constant 0 : i32
      %dma_start3A_419 = arith.constant 0 : i32
      %dma_start3A_420 = tpu.memref_slice %arg2[%dma_start3A_418, %dma_start3A_419] : memref<10000x128xf32, #tpu.memory_space<hbm>> -> memref<10000x128xf32, #tpu.memory_space<hbm>>
      tpu.enqueue_indirect_dma source(%dma_start3A_420 : memref<10000x128xf32, #tpu.memory_space<hbm>>) target(%arg9 : memref<128x128xf32, #tpu.memory_space<vmem>>) offsets(%dma_start3A_417 : memref<128xi32, #tpu.memory_space<vmem>>) semaphore(%arg12 : memref<!tpu.dma_semaphore, #tpu.memory_space<semaphore_mem>>)
      %dma_wait3A_421 = arith.constant 10 : i32
      %dma_wait3A_422 = arith.constant 0 : i32
      %dma_wait3A_423 = tpu.memref_slice %arg6[%select_n3A_123, %dma_wait3A_421, %dma_wait3A_422] : memref<2x16x128xi32, #tpu.memory_space<vmem>> -> memref<1x1x128xi32, #tpu.memory_space<vmem>>
      %dma_wait3A_424 = tpu.memref_squeeze %dma_wait3A_423 : memref<1x1x128xi32, #tpu.memory_space<vmem>> -> memref<128xi32, #tpu.memory_space<vmem>>
      %dma_wait3A_425 = arith.constant 0 : i32
      %dma_wait3A_426 = arith.constant 0 : i32
      %dma_wait3A_427 = tpu.memref_slice %arg2[%dma_wait3A_425, %dma_wait3A_426] : memref<10000x128xf32, #tpu.memory_space<hbm>> -> memref<10000x128xf32, #tpu.memory_space<hbm>>
      tpu.wait_indirect_dma semaphore(%arg11 : memref<!tpu.dma_semaphore, #tpu.memory_space<semaphore_mem>>) src(%dma_wait3A_427 : memref<10000x128xf32, #tpu.memory_space<hbm>>) dst(%arg8 : memref<128x128xf32, #tpu.memory_space<vmem>>)
      %dma_start3A_428 = arith.constant 10 : i32
      %dma_start3A_429 = arith.constant 0 : i32
      %dma_start3A_430 = tpu.memref_slice %arg7[%select_n3A_123, %dma_start3A_428, %dma_start3A_429] : memref<2x16x128xi32, #tpu.memory_space<vmem>> -> memref<1x1x128xi32, #tpu.memory_space<vmem>>
      %dma_start3A_431 = tpu.memref_squeeze %dma_start3A_430 : memref<1x1x128xi32, #tpu.memory_space<vmem>> -> memref<128xi32, #tpu.memory_space<vmem>>
      %dma_start3A_432 = arith.constant 0 : i32
      %dma_start3A_433 = arith.constant 0 : i32
      %dma_start3A_434 = tpu.memref_slice %arg10[%dma_start3A_432, %dma_start3A_433] : memref<10112x128xf32, #tpu.memory_space<vmem_shared>> -> memref<10112x128xf32, #tpu.memory_space<vmem_shared>>
      tpu.enqueue_indirect_dma source(%arg8 : memref<128x128xf32, #tpu.memory_space<vmem>>) target(%dma_start3A_434 : memref<10112x128xf32, #tpu.memory_space<vmem_shared>>) offsets(%dma_start3A_431 : memref<128xi32, #tpu.memory_space<vmem>>) semaphore(%arg13 : memref<!tpu.dma_semaphore, #tpu.memory_space<semaphore_mem>>) {add = true}
      %dma_wait3A_435 = arith.constant 10 : i32
      %dma_wait3A_436 = arith.constant 0 : i32
      %dma_wait3A_437 = tpu.memref_slice %arg7[%select_n3A_123, %dma_wait3A_435, %dma_wait3A_436] : memref<2x16x128xi32, #tpu.memory_space<vmem>> -> memref<1x1x128xi32, #tpu.memory_space<vmem>>
      %dma_wait3A_438 = tpu.memref_squeeze %dma_wait3A_437 : memref<1x1x128xi32, #tpu.memory_space<vmem>> -> memref<128xi32, #tpu.memory_space<vmem>>
      %dma_wait3A_439 = arith.constant 0 : i32
      %dma_wait3A_440 = arith.constant 0 : i32
      %dma_wait3A_441 = tpu.memref_slice %arg10[%dma_wait3A_439, %dma_wait3A_440] : memref<10112x128xf32, #tpu.memory_space<vmem_shared>> -> memref<10112x128xf32, #tpu.memory_space<vmem_shared>>
      tpu.wait_indirect_dma semaphore(%arg13 : memref<!tpu.dma_semaphore, #tpu.memory_space<semaphore_mem>>) src(%arg8 : memref<128x128xf32, #tpu.memory_space<vmem>>) dst(%dma_wait3A_441 : memref<10112x128xf32, #tpu.memory_space<vmem_shared>>)
      %dma_start3A_442 = arith.constant 12 : i32
      %dma_start3A_443 = arith.constant 0 : i32
      %dma_start3A_444 = tpu.memref_slice %arg6[%select_n3A_123, %dma_start3A_442, %dma_start3A_443] : memref<2x16x128xi32, #tpu.memory_space<vmem>> -> memref<1x1x128xi32, #tpu.memory_space<vmem>>
      %dma_start3A_445 = tpu.memref_squeeze %dma_start3A_444 : memref<1x1x128xi32, #tpu.memory_space<vmem>> -> memref<128xi32, #tpu.memory_space<vmem>>
      %dma_start3A_446 = arith.constant 0 : i32
      %dma_start3A_447 = arith.constant 0 : i32
      %dma_start3A_448 = tpu.memref_slice %arg2[%dma_start3A_446, %dma_start3A_447] : memref<10000x128xf32, #tpu.memory_space<hbm>> -> memref<10000x128xf32, #tpu.memory_space<hbm>>
      tpu.enqueue_indirect_dma source(%dma_start3A_448 : memref<10000x128xf32, #tpu.memory_space<hbm>>) target(%arg8 : memref<128x128xf32, #tpu.memory_space<vmem>>) offsets(%dma_start3A_445 : memref<128xi32, #tpu.memory_space<vmem>>) semaphore(%arg11 : memref<!tpu.dma_semaphore, #tpu.memory_space<semaphore_mem>>)
      %dma_wait3A_449 = arith.constant 11 : i32
      %dma_wait3A_450 = arith.constant 0 : i32
      %dma_wait3A_451 = tpu.memref_slice %arg6[%select_n3A_123, %dma_wait3A_449, %dma_wait3A_450] : memref<2x16x128xi32, #tpu.memory_space<vmem>> -> memref<1x1x128xi32, #tpu.memory_space<vmem>>
      %dma_wait3A_452 = tpu.memref_squeeze %dma_wait3A_451 : memref<1x1x128xi32, #tpu.memory_space<vmem>> -> memref<128xi32, #tpu.memory_space<vmem>>
      %dma_wait3A_453 = arith.constant 0 : i32
      %dma_wait3A_454 = arith.constant 0 : i32
      %dma_wait3A_455 = tpu.memref_slice %arg2[%dma_wait3A_453, %dma_wait3A_454] : memref<10000x128xf32, #tpu.memory_space<hbm>> -> memref<10000x128xf32, #tpu.memory_space<hbm>>
      tpu.wait_indirect_dma semaphore(%arg12 : memref<!tpu.dma_semaphore, #tpu.memory_space<semaphore_mem>>) src(%dma_wait3A_455 : memref<10000x128xf32, #tpu.memory_space<hbm>>) dst(%arg9 : memref<128x128xf32, #tpu.memory_space<vmem>>)
      %dma_start3A_456 = arith.constant 11 : i32
      %dma_start3A_457 = arith.constant 0 : i32
      %dma_start3A_458 = tpu.memref_slice %arg7[%select_n3A_123, %dma_start3A_456, %dma_start3A_457] : memref<2x16x128xi32, #tpu.memory_space<vmem>> -> memref<1x1x128xi32, #tpu.memory_space<vmem>>
      %dma_start3A_459 = tpu.memref_squeeze %dma_start3A_458 : memref<1x1x128xi32, #tpu.memory_space<vmem>> -> memref<128xi32, #tpu.memory_space<vmem>>
      %dma_start3A_460 = arith.constant 0 : i32
      %dma_start3A_461 = arith.constant 0 : i32
      %dma_start3A_462 = tpu.memref_slice %arg10[%dma_start3A_460, %dma_start3A_461] : memref<10112x128xf32, #tpu.memory_space<vmem_shared>> -> memref<10112x128xf32, #tpu.memory_space<vmem_shared>>
      tpu.enqueue_indirect_dma source(%arg9 : memref<128x128xf32, #tpu.memory_space<vmem>>) target(%dma_start3A_462 : memref<10112x128xf32, #tpu.memory_space<vmem_shared>>) offsets(%dma_start3A_459 : memref<128xi32, #tpu.memory_space<vmem>>) semaphore(%arg14 : memref<!tpu.dma_semaphore, #tpu.memory_space<semaphore_mem>>) {add = true}
      %dma_wait3A_463 = arith.constant 11 : i32
      %dma_wait3A_464 = arith.constant 0 : i32
      %dma_wait3A_465 = tpu.memref_slice %arg7[%select_n3A_123, %dma_wait3A_463, %dma_wait3A_464] : memref<2x16x128xi32, #tpu.memory_space<vmem>> -> memref<1x1x128xi32, #tpu.memory_space<vmem>>
      %dma_wait3A_466 = tpu.memref_squeeze %dma_wait3A_465 : memref<1x1x128xi32, #tpu.memory_space<vmem>> -> memref<128xi32, #tpu.memory_space<vmem>>
      %dma_wait3A_467 = arith.constant 0 : i32
      %dma_wait3A_468 = arith.constant 0 : i32
      %dma_wait3A_469 = tpu.memref_slice %arg10[%dma_wait3A_467, %dma_wait3A_468] : memref<10112x128xf32, #tpu.memory_space<vmem_shared>> -> memref<10112x128xf32, #tpu.memory_space<vmem_shared>>
      tpu.wait_indirect_dma semaphore(%arg14 : memref<!tpu.dma_semaphore, #tpu.memory_space<semaphore_mem>>) src(%arg9 : memref<128x128xf32, #tpu.memory_space<vmem>>) dst(%dma_wait3A_469 : memref<10112x128xf32, #tpu.memory_space<vmem_shared>>)
      %dma_start3A_470 = arith.constant 13 : i32
      %dma_start3A_471 = arith.constant 0 : i32
      %dma_start3A_472 = tpu.memref_slice %arg6[%select_n3A_123, %dma_start3A_470, %dma_start3A_471] : memref<2x16x128xi32, #tpu.memory_space<vmem>> -> memref<1x1x128xi32, #tpu.memory_space<vmem>>
      %dma_start3A_473 = tpu.memref_squeeze %dma_start3A_472 : memref<1x1x128xi32, #tpu.memory_space<vmem>> -> memref<128xi32, #tpu.memory_space<vmem>>
      %dma_start3A_474 = arith.constant 0 : i32
      %dma_start3A_475 = arith.constant 0 : i32
      %dma_start3A_476 = tpu.memref_slice %arg2[%dma_start3A_474, %dma_start3A_475] : memref<10000x128xf32, #tpu.memory_space<hbm>> -> memref<10000x128xf32, #tpu.memory_space<hbm>>
      tpu.enqueue_indirect_dma source(%dma_start3A_476 : memref<10000x128xf32, #tpu.memory_space<hbm>>) target(%arg9 : memref<128x128xf32, #tpu.memory_space<vmem>>) offsets(%dma_start3A_473 : memref<128xi32, #tpu.memory_space<vmem>>) semaphore(%arg12 : memref<!tpu.dma_semaphore, #tpu.memory_space<semaphore_mem>>)
      %dma_wait3A_477 = arith.constant 12 : i32
      %dma_wait3A_478 = arith.constant 0 : i32
      %dma_wait3A_479 = tpu.memref_slice %arg6[%select_n3A_123, %dma_wait3A_477, %dma_wait3A_478] : memref<2x16x128xi32, #tpu.memory_space<vmem>> -> memref<1x1x128xi32, #tpu.memory_space<vmem>>
      %dma_wait3A_480 = tpu.memref_squeeze %dma_wait3A_479 : memref<1x1x128xi32, #tpu.memory_space<vmem>> -> memref<128xi32, #tpu.memory_space<vmem>>
      %dma_wait3A_481 = arith.constant 0 : i32
      %dma_wait3A_482 = arith.constant 0 : i32
      %dma_wait3A_483 = tpu.memref_slice %arg2[%dma_wait3A_481, %dma_wait3A_482] : memref<10000x128xf32, #tpu.memory_space<hbm>> -> memref<10000x128xf32, #tpu.memory_space<hbm>>
      tpu.wait_indirect_dma semaphore(%arg11 : memref<!tpu.dma_semaphore, #tpu.memory_space<semaphore_mem>>) src(%dma_wait3A_483 : memref<10000x128xf32, #tpu.memory_space<hbm>>) dst(%arg8 : memref<128x128xf32, #tpu.memory_space<vmem>>)
      %dma_start3A_484 = arith.constant 12 : i32
      %dma_start3A_485 = arith.constant 0 : i32
      %dma_start3A_486 = tpu.memref_slice %arg7[%select_n3A_123, %dma_start3A_484, %dma_start3A_485] : memref<2x16x128xi32, #tpu.memory_space<vmem>> -> memref<1x1x128xi32, #tpu.memory_space<vmem>>
      %dma_start3A_487 = tpu.memref_squeeze %dma_start3A_486 : memref<1x1x128xi32, #tpu.memory_space<vmem>> -> memref<128xi32, #tpu.memory_space<vmem>>
      %dma_start3A_488 = arith.constant 0 : i32
      %dma_start3A_489 = arith.constant 0 : i32
      %dma_start3A_490 = tpu.memref_slice %arg10[%dma_start3A_488, %dma_start3A_489] : memref<10112x128xf32, #tpu.memory_space<vmem_shared>> -> memref<10112x128xf32, #tpu.memory_space<vmem_shared>>
      tpu.enqueue_indirect_dma source(%arg8 : memref<128x128xf32, #tpu.memory_space<vmem>>) target(%dma_start3A_490 : memref<10112x128xf32, #tpu.memory_space<vmem_shared>>) offsets(%dma_start3A_487 : memref<128xi32, #tpu.memory_space<vmem>>) semaphore(%arg13 : memref<!tpu.dma_semaphore, #tpu.memory_space<semaphore_mem>>) {add = true}
      %dma_wait3A_491 = arith.constant 12 : i32
      %dma_wait3A_492 = arith.constant 0 : i32
      %dma_wait3A_493 = tpu.memref_slice %arg7[%select_n3A_123, %dma_wait3A_491, %dma_wait3A_492] : memref<2x16x128xi32, #tpu.memory_space<vmem>> -> memref<1x1x128xi32, #tpu.memory_space<vmem>>
      %dma_wait3A_494 = tpu.memref_squeeze %dma_wait3A_493 : memref<1x1x128xi32, #tpu.memory_space<vmem>> -> memref<128xi32, #tpu.memory_space<vmem>>
      %dma_wait3A_495 = arith.constant 0 : i32
      %dma_wait3A_496 = arith.constant 0 : i32
      %dma_wait3A_497 = tpu.memref_slice %arg10[%dma_wait3A_495, %dma_wait3A_496] : memref<10112x128xf32, #tpu.memory_space<vmem_shared>> -> memref<10112x128xf32, #tpu.memory_space<vmem_shared>>
      tpu.wait_indirect_dma semaphore(%arg13 : memref<!tpu.dma_semaphore, #tpu.memory_space<semaphore_mem>>) src(%arg8 : memref<128x128xf32, #tpu.memory_space<vmem>>) dst(%dma_wait3A_497 : memref<10112x128xf32, #tpu.memory_space<vmem_shared>>)
      %dma_start3A_498 = arith.constant 14 : i32
      %dma_start3A_499 = arith.constant 0 : i32
      %dma_start3A_500 = tpu.memref_slice %arg6[%select_n3A_123, %dma_start3A_498, %dma_start3A_499] : memref<2x16x128xi32, #tpu.memory_space<vmem>> -> memref<1x1x128xi32, #tpu.memory_space<vmem>>
      %dma_start3A_501 = tpu.memref_squeeze %dma_start3A_500 : memref<1x1x128xi32, #tpu.memory_space<vmem>> -> memref<128xi32, #tpu.memory_space<vmem>>
      %dma_start3A_502 = arith.constant 0 : i32
      %dma_start3A_503 = arith.constant 0 : i32
      %dma_start3A_504 = tpu.memref_slice %arg2[%dma_start3A_502, %dma_start3A_503] : memref<10000x128xf32, #tpu.memory_space<hbm>> -> memref<10000x128xf32, #tpu.memory_space<hbm>>
      tpu.enqueue_indirect_dma source(%dma_start3A_504 : memref<10000x128xf32, #tpu.memory_space<hbm>>) target(%arg8 : memref<128x128xf32, #tpu.memory_space<vmem>>) offsets(%dma_start3A_501 : memref<128xi32, #tpu.memory_space<vmem>>) semaphore(%arg11 : memref<!tpu.dma_semaphore, #tpu.memory_space<semaphore_mem>>)
      %dma_wait3A_505 = arith.constant 13 : i32
      %dma_wait3A_506 = arith.constant 0 : i32
      %dma_wait3A_507 = tpu.memref_slice %arg6[%select_n3A_123, %dma_wait3A_505, %dma_wait3A_506] : memref<2x16x128xi32, #tpu.memory_space<vmem>> -> memref<1x1x128xi32, #tpu.memory_space<vmem>>
      %dma_wait3A_508 = tpu.memref_squeeze %dma_wait3A_507 : memref<1x1x128xi32, #tpu.memory_space<vmem>> -> memref<128xi32, #tpu.memory_space<vmem>>
      %dma_wait3A_509 = arith.constant 0 : i32
      %dma_wait3A_510 = arith.constant 0 : i32
      %dma_wait3A_511 = tpu.memref_slice %arg2[%dma_wait3A_509, %dma_wait3A_510] : memref<10000x128xf32, #tpu.memory_space<hbm>> -> memref<10000x128xf32, #tpu.memory_space<hbm>>
      tpu.wait_indirect_dma semaphore(%arg12 : memref<!tpu.dma_semaphore, #tpu.memory_space<semaphore_mem>>) src(%dma_wait3A_511 : memref<10000x128xf32, #tpu.memory_space<hbm>>) dst(%arg9 : memref<128x128xf32, #tpu.memory_space<vmem>>)
      %dma_start3A_512 = arith.constant 13 : i32
      %dma_start3A_513 = arith.constant 0 : i32
      %dma_start3A_514 = tpu.memref_slice %arg7[%select_n3A_123, %dma_start3A_512, %dma_start3A_513] : memref<2x16x128xi32, #tpu.memory_space<vmem>> -> memref<1x1x128xi32, #tpu.memory_space<vmem>>
      %dma_start3A_515 = tpu.memref_squeeze %dma_start3A_514 : memref<1x1x128xi32, #tpu.memory_space<vmem>> -> memref<128xi32, #tpu.memory_space<vmem>>
      %dma_start3A_516 = arith.constant 0 : i32
      %dma_start3A_517 = arith.constant 0 : i32
      %dma_start3A_518 = tpu.memref_slice %arg10[%dma_start3A_516, %dma_start3A_517] : memref<10112x128xf32, #tpu.memory_space<vmem_shared>> -> memref<10112x128xf32, #tpu.memory_space<vmem_shared>>
      tpu.enqueue_indirect_dma source(%arg9 : memref<128x128xf32, #tpu.memory_space<vmem>>) target(%dma_start3A_518 : memref<10112x128xf32, #tpu.memory_space<vmem_shared>>) offsets(%dma_start3A_515 : memref<128xi32, #tpu.memory_space<vmem>>) semaphore(%arg14 : memref<!tpu.dma_semaphore, #tpu.memory_space<semaphore_mem>>) {add = true}
      %dma_wait3A_519 = arith.constant 13 : i32
      %dma_wait3A_520 = arith.constant 0 : i32
      %dma_wait3A_521 = tpu.memref_slice %arg7[%select_n3A_123, %dma_wait3A_519, %dma_wait3A_520] : memref<2x16x128xi32, #tpu.memory_space<vmem>> -> memref<1x1x128xi32, #tpu.memory_space<vmem>>
      %dma_wait3A_522 = tpu.memref_squeeze %dma_wait3A_521 : memref<1x1x128xi32, #tpu.memory_space<vmem>> -> memref<128xi32, #tpu.memory_space<vmem>>
      %dma_wait3A_523 = arith.constant 0 : i32
      %dma_wait3A_524 = arith.constant 0 : i32
      %dma_wait3A_525 = tpu.memref_slice %arg10[%dma_wait3A_523, %dma_wait3A_524] : memref<10112x128xf32, #tpu.memory_space<vmem_shared>> -> memref<10112x128xf32, #tpu.memory_space<vmem_shared>>
      tpu.wait_indirect_dma semaphore(%arg14 : memref<!tpu.dma_semaphore, #tpu.memory_space<semaphore_mem>>) src(%arg9 : memref<128x128xf32, #tpu.memory_space<vmem>>) dst(%dma_wait3A_525 : memref<10112x128xf32, #tpu.memory_space<vmem_shared>>)
      %dma_start3A_526 = arith.constant 15 : i32
      %dma_start3A_527 = arith.constant 0 : i32
      %dma_start3A_528 = tpu.memref_slice %arg6[%select_n3A_123, %dma_start3A_526, %dma_start3A_527] : memref<2x16x128xi32, #tpu.memory_space<vmem>> -> memref<1x1x128xi32, #tpu.memory_space<vmem>>
      %dma_start3A_529 = tpu.memref_squeeze %dma_start3A_528 : memref<1x1x128xi32, #tpu.memory_space<vmem>> -> memref<128xi32, #tpu.memory_space<vmem>>
      %dma_start3A_530 = arith.constant 0 : i32
      %dma_start3A_531 = arith.constant 0 : i32
      %dma_start3A_532 = tpu.memref_slice %arg2[%dma_start3A_530, %dma_start3A_531] : memref<10000x128xf32, #tpu.memory_space<hbm>> -> memref<10000x128xf32, #tpu.memory_space<hbm>>
      tpu.enqueue_indirect_dma source(%dma_start3A_532 : memref<10000x128xf32, #tpu.memory_space<hbm>>) target(%arg9 : memref<128x128xf32, #tpu.memory_space<vmem>>) offsets(%dma_start3A_529 : memref<128xi32, #tpu.memory_space<vmem>>) semaphore(%arg12 : memref<!tpu.dma_semaphore, #tpu.memory_space<semaphore_mem>>)
      %dma_wait3A_533 = arith.constant 14 : i32
      %dma_wait3A_534 = arith.constant 0 : i32
      %dma_wait3A_535 = tpu.memref_slice %arg6[%select_n3A_123, %dma_wait3A_533, %dma_wait3A_534] : memref<2x16x128xi32, #tpu.memory_space<vmem>> -> memref<1x1x128xi32, #tpu.memory_space<vmem>>
      %dma_wait3A_536 = tpu.memref_squeeze %dma_wait3A_535 : memref<1x1x128xi32, #tpu.memory_space<vmem>> -> memref<128xi32, #tpu.memory_space<vmem>>
      %dma_wait3A_537 = arith.constant 0 : i32
      %dma_wait3A_538 = arith.constant 0 : i32
      %dma_wait3A_539 = tpu.memref_slice %arg2[%dma_wait3A_537, %dma_wait3A_538] : memref<10000x128xf32, #tpu.memory_space<hbm>> -> memref<10000x128xf32, #tpu.memory_space<hbm>>
      tpu.wait_indirect_dma semaphore(%arg11 : memref<!tpu.dma_semaphore, #tpu.memory_space<semaphore_mem>>) src(%dma_wait3A_539 : memref<10000x128xf32, #tpu.memory_space<hbm>>) dst(%arg8 : memref<128x128xf32, #tpu.memory_space<vmem>>)
      %dma_start3A_540 = arith.constant 14 : i32
      %dma_start3A_541 = arith.constant 0 : i32
      %dma_start3A_542 = tpu.memref_slice %arg7[%select_n3A_123, %dma_start3A_540, %dma_start3A_541] : memref<2x16x128xi32, #tpu.memory_space<vmem>> -> memref<1x1x128xi32, #tpu.memory_space<vmem>>
      %dma_start3A_543 = tpu.memref_squeeze %dma_start3A_542 : memref<1x1x128xi32, #tpu.memory_space<vmem>> -> memref<128xi32, #tpu.memory_space<vmem>>
      %dma_start3A_544 = arith.constant 0 : i32
      %dma_start3A_545 = arith.constant 0 : i32
      %dma_start3A_546 = tpu.memref_slice %arg10[%dma_start3A_544, %dma_start3A_545] : memref<10112x128xf32, #tpu.memory_space<vmem_shared>> -> memref<10112x128xf32, #tpu.memory_space<vmem_shared>>
      tpu.enqueue_indirect_dma source(%arg8 : memref<128x128xf32, #tpu.memory_space<vmem>>) target(%dma_start3A_546 : memref<10112x128xf32, #tpu.memory_space<vmem_shared>>) offsets(%dma_start3A_543 : memref<128xi32, #tpu.memory_space<vmem>>) semaphore(%arg13 : memref<!tpu.dma_semaphore, #tpu.memory_space<semaphore_mem>>) {add = true}
      %add3A_547 = arith.constant 1 : i32
      %add3A_548 = arith.addi %scan3A_114, %add3A_547 : i32
      %lt3A_549 = arith.constant 5 : i32
      %lt3A_550 = arith.cmpi slt, %add3A_548, %lt3A_549 : i32
      %convert_element_type3A_551 = arith.extui %lt3A_550 : i1 to i32
      %cond3A_552 = arith.constant 0 : i32
      %cond3A_553 = arith.cmpi ne, %convert_element_type3A_551, %cond3A_552 : i32
      scf.if %cond3A_553 {
        %dma_wait3A_568 = arith.constant 14 : i32
        %dma_wait3A_569 = arith.constant 0 : i32
        %dma_wait3A_570 = tpu.memref_slice %arg7[%select_n3A_123, %dma_wait3A_568, %dma_wait3A_569] : memref<2x16x128xi32, #tpu.memory_space<vmem>> -> memref<1x1x128xi32, #tpu.memory_space<vmem>>
        %dma_wait3A_571 = tpu.memref_squeeze %dma_wait3A_570 : memref<1x1x128xi32, #tpu.memory_space<vmem>> -> memref<128xi32, #tpu.memory_space<vmem>>
        %dma_wait3A_572 = arith.constant 0 : i32
        %dma_wait3A_573 = arith.constant 0 : i32
        %dma_wait3A_574 = tpu.memref_slice %arg10[%dma_wait3A_572, %dma_wait3A_573] : memref<10112x128xf32, #tpu.memory_space<vmem_shared>> -> memref<10112x128xf32, #tpu.memory_space<vmem_shared>>
        tpu.wait_indirect_dma semaphore(%arg13 : memref<!tpu.dma_semaphore, #tpu.memory_space<semaphore_mem>>) src(%arg8 : memref<128x128xf32, #tpu.memory_space<vmem>>) dst(%dma_wait3A_574 : memref<10112x128xf32, #tpu.memory_space<vmem_shared>>)
        %add3A_575 = arith.constant 1 : i32
        %add3A_576 = arith.addi %scan3A_114, %add3A_575 : i32
        %mul3A_577 = arith.constant 16 : i32
        %mul3A_578 = arith.muli %add3A_576, %mul3A_577 : i32
        %dma_wait3A_579 = arith.constant 0 : i32
        %dma_wait3A_580 = arith.constant 0 : i32
        %dma_wait3A_581 = tpu.memref_slice %arg6[%sub3A_124, %dma_wait3A_579, %dma_wait3A_580] : memref<2x16x128xi32, #tpu.memory_space<vmem>> -> memref<1x16x128xi32, #tpu.memory_space<vmem>>
        %dma_wait3A_582 = tpu.memref_squeeze %dma_wait3A_581 : memref<1x16x128xi32, #tpu.memory_space<vmem>> -> memref<16x128xi32, #tpu.memory_space<vmem>>
        %dma_wait3A_583 = arith.constant 0 : i32
        %dma_wait3A_584 = tpu.memref_slice %arg3[%add3A, %mul3A_578, %dma_wait3A_583] : memref<32x80x128xi32, #tpu.memory_space<hbm>> -> memref<1x16x128xi32, #tpu.memory_space<hbm>>
        %dma_wait3A_585 = tpu.memref_squeeze %dma_wait3A_584 : memref<1x16x128xi32, #tpu.memory_space<hbm>> -> memref<16x128xi32, #tpu.memory_space<hbm>>
        %dma_wait3A_586 = arith.constant 0 : i32
        %dma_wait3A_587 = arith.constant 0 : i32
        %dma_wait3A_588 = tpu.memref_slice %arg6[%sub3A_124, %dma_wait3A_586, %dma_wait3A_587] : memref<2x16x128xi32, #tpu.memory_space<vmem>> -> memref<1x16x128xi32, #tpu.memory_space<vmem>>
        %dma_wait3A_589 = tpu.memref_squeeze %dma_wait3A_588 : memref<1x16x128xi32, #tpu.memory_space<vmem>> -> memref<16x128xi32, #tpu.memory_space<vmem>>
        %dma_wait3A_590 = arith.constant 0 : i32
        %dma_wait3A_591 = tpu.memref_slice %arg3[%add3A, %mul3A_578, %dma_wait3A_590] : memref<32x80x128xi32, #tpu.memory_space<hbm>> -> memref<1x16x128xi32, #tpu.memory_space<hbm>>
        %dma_wait3A_592 = tpu.memref_squeeze %dma_wait3A_591 : memref<1x16x128xi32, #tpu.memory_space<hbm>> -> memref<16x128xi32, #tpu.memory_space<hbm>>
        tpu.wait_dma2 semaphore(%arg15 : memref<!tpu.dma_semaphore, #tpu.memory_space<semaphore_mem>>) src(%dma_wait3A_592 : memref<16x128xi32, #tpu.memory_space<hbm>>) dst(%dma_wait3A_589 : memref<16x128xi32, #tpu.memory_space<vmem>>)
        %mul3A_593 = arith.constant 16 : i32
        %mul3A_594 = arith.muli %add3A_576, %mul3A_593 : i32
        %dma_wait3A_595 = arith.constant 0 : i32
        %dma_wait3A_596 = arith.constant 0 : i32
        %dma_wait3A_597 = tpu.memref_slice %arg7[%sub3A_124, %dma_wait3A_595, %dma_wait3A_596] : memref<2x16x128xi32, #tpu.memory_space<vmem>> -> memref<1x16x128xi32, #tpu.memory_space<vmem>>
        %dma_wait3A_598 = tpu.memref_squeeze %dma_wait3A_597 : memref<1x16x128xi32, #tpu.memory_space<vmem>> -> memref<16x128xi32, #tpu.memory_space<vmem>>
        %dma_wait3A_599 = arith.constant 0 : i32
        %dma_wait3A_600 = tpu.memref_slice %arg4[%add3A, %mul3A_594, %dma_wait3A_599] : memref<32x80x128xi32, #tpu.memory_space<hbm>> -> memref<1x16x128xi32, #tpu.memory_space<hbm>>
        %dma_wait3A_601 = tpu.memref_squeeze %dma_wait3A_600 : memref<1x16x128xi32, #tpu.memory_space<hbm>> -> memref<16x128xi32, #tpu.memory_space<hbm>>
        %dma_wait3A_602 = arith.constant 0 : i32
        %dma_wait3A_603 = arith.constant 0 : i32
        %dma_wait3A_604 = tpu.memref_slice %arg7[%sub3A_124, %dma_wait3A_602, %dma_wait3A_603] : memref<2x16x128xi32, #tpu.memory_space<vmem>> -> memref<1x16x128xi32, #tpu.memory_space<vmem>>
        %dma_wait3A_605 = tpu.memref_squeeze %dma_wait3A_604 : memref<1x16x128xi32, #tpu.memory_space<vmem>> -> memref<16x128xi32, #tpu.memory_space<vmem>>
        %dma_wait3A_606 = arith.constant 0 : i32
        %dma_wait3A_607 = tpu.memref_slice %arg4[%add3A, %mul3A_594, %dma_wait3A_606] : memref<32x80x128xi32, #tpu.memory_space<hbm>> -> memref<1x16x128xi32, #tpu.memory_space<hbm>>
        %dma_wait3A_608 = tpu.memref_squeeze %dma_wait3A_607 : memref<1x16x128xi32, #tpu.memory_space<hbm>> -> memref<16x128xi32, #tpu.memory_space<hbm>>
        tpu.wait_dma2 semaphore(%arg16 : memref<!tpu.dma_semaphore, #tpu.memory_space<semaphore_mem>>) src(%dma_wait3A_608 : memref<16x128xi32, #tpu.memory_space<hbm>>) dst(%dma_wait3A_605 : memref<16x128xi32, #tpu.memory_space<vmem>>)
        %dma_start3A_609 = arith.constant 0 : i32
        %dma_start3A_610 = arith.constant 0 : i32
        %dma_start3A_611 = tpu.memref_slice %arg6[%sub3A_124, %dma_start3A_609, %dma_start3A_610] : memref<2x16x128xi32, #tpu.memory_space<vmem>> -> memref<1x1x128xi32, #tpu.memory_space<vmem>>
        %dma_start3A_612 = tpu.memref_squeeze %dma_start3A_611 : memref<1x1x128xi32, #tpu.memory_space<vmem>> -> memref<128xi32, #tpu.memory_space<vmem>>
        %dma_start3A_613 = arith.constant 0 : i32
        %dma_start3A_614 = arith.constant 0 : i32
        %dma_start3A_615 = tpu.memref_slice %arg2[%dma_start3A_613, %dma_start3A_614] : memref<10000x128xf32, #tpu.memory_space<hbm>> -> memref<10000x128xf32, #tpu.memory_space<hbm>>
        tpu.enqueue_indirect_dma source(%dma_start3A_615 : memref<10000x128xf32, #tpu.memory_space<hbm>>) target(%arg8 : memref<128x128xf32, #tpu.memory_space<vmem>>) offsets(%dma_start3A_612 : memref<128xi32, #tpu.memory_space<vmem>>) semaphore(%arg11 : memref<!tpu.dma_semaphore, #tpu.memory_space<semaphore_mem>>)
      } else {
      }
      %dma_wait3A_554 = arith.constant 15 : i32
      %dma_wait3A_555 = arith.constant 0 : i32
      %dma_wait3A_556 = tpu.memref_slice %arg6[%select_n3A_123, %dma_wait3A_554, %dma_wait3A_555] : memref<2x16x128xi32, #tpu.memory_space<vmem>> -> memref<1x1x128xi32, #tpu.memory_space<vmem>>
      %dma_wait3A_557 = tpu.memref_squeeze %dma_wait3A_556 : memref<1x1x128xi32, #tpu.memory_space<vmem>> -> memref<128xi32, #tpu.memory_space<vmem>>
      %dma_wait3A_558 = arith.constant 0 : i32
      %dma_wait3A_559 = arith.constant 0 : i32
      %dma_wait3A_560 = tpu.memref_slice %arg2[%dma_wait3A_558, %dma_wait3A_559] : memref<10000x128xf32, #tpu.memory_space<hbm>> -> memref<10000x128xf32, #tpu.memory_space<hbm>>
      tpu.wait_indirect_dma semaphore(%arg12 : memref<!tpu.dma_semaphore, #tpu.memory_space<semaphore_mem>>) src(%dma_wait3A_560 : memref<10000x128xf32, #tpu.memory_space<hbm>>) dst(%arg9 : memref<128x128xf32, #tpu.memory_space<vmem>>)
      %dma_start3A_561 = arith.constant 15 : i32
      %dma_start3A_562 = arith.constant 0 : i32
      %dma_start3A_563 = tpu.memref_slice %arg7[%select_n3A_123, %dma_start3A_561, %dma_start3A_562] : memref<2x16x128xi32, #tpu.memory_space<vmem>> -> memref<1x1x128xi32, #tpu.memory_space<vmem>>
      %dma_start3A_564 = tpu.memref_squeeze %dma_start3A_563 : memref<1x1x128xi32, #tpu.memory_space<vmem>> -> memref<128xi32, #tpu.memory_space<vmem>>
      %dma_start3A_565 = arith.constant 0 : i32
      %dma_start3A_566 = arith.constant 0 : i32
      %dma_start3A_567 = tpu.memref_slice %arg10[%dma_start3A_565, %dma_start3A_566] : memref<10112x128xf32, #tpu.memory_space<vmem_shared>> -> memref<10112x128xf32, #tpu.memory_space<vmem_shared>>
      tpu.enqueue_indirect_dma source(%arg9 : memref<128x128xf32, #tpu.memory_space<vmem>>) target(%dma_start3A_567 : memref<10112x128xf32, #tpu.memory_space<vmem_shared>>) offsets(%dma_start3A_564 : memref<128xi32, #tpu.memory_space<vmem>>) semaphore(%arg14 : memref<!tpu.dma_semaphore, #tpu.memory_space<semaphore_mem>>) {add = true}
    }
    %scan3A_96 = arith.constant 5 : i32
    %dma_wait3A_97 = arith.constant 0 : i32
    %dma_wait3A_98 = arith.constant 14 : i32
    %dma_wait3A_99 = arith.constant 0 : i32
    %dma_wait3A_100 = tpu.memref_slice %arg7[%dma_wait3A_97, %dma_wait3A_98, %dma_wait3A_99] : memref<2x16x128xi32, #tpu.memory_space<vmem>> -> memref<1x1x128xi32, #tpu.memory_space<vmem>>
    %dma_wait3A_101 = tpu.memref_squeeze %dma_wait3A_100 : memref<1x1x128xi32, #tpu.memory_space<vmem>> -> memref<128xi32, #tpu.memory_space<vmem>>
    %dma_wait3A_102 = arith.constant 0 : i32
    %dma_wait3A_103 = arith.constant 0 : i32
    %dma_wait3A_104 = tpu.memref_slice %arg10[%dma_wait3A_102, %dma_wait3A_103] : memref<10112x128xf32, #tpu.memory_space<vmem_shared>> -> memref<10112x128xf32, #tpu.memory_space<vmem_shared>>
    tpu.wait_indirect_dma semaphore(%arg13 : memref<!tpu.dma_semaphore, #tpu.memory_space<semaphore_mem>>) src(%arg8 : memref<128x128xf32, #tpu.memory_space<vmem>>) dst(%dma_wait3A_104 : memref<10112x128xf32, #tpu.memory_space<vmem_shared>>)
    %dma_wait3A_105 = arith.constant 0 : i32
    %dma_wait3A_106 = arith.constant 15 : i32
    %dma_wait3A_107 = arith.constant 0 : i32
    %dma_wait3A_108 = tpu.memref_slice %arg7[%dma_wait3A_105, %dma_wait3A_106, %dma_wait3A_107] : memref<2x16x128xi32, #tpu.memory_space<vmem>> -> memref<1x1x128xi32, #tpu.memory_space<vmem>>
    %dma_wait3A_109 = tpu.memref_squeeze %dma_wait3A_108 : memref<1x1x128xi32, #tpu.memory_space<vmem>> -> memref<128xi32, #tpu.memory_space<vmem>>
    %dma_wait3A_110 = arith.constant 0 : i32
    %dma_wait3A_111 = arith.constant 0 : i32
    %dma_wait3A_112 = tpu.memref_slice %arg10[%dma_wait3A_110, %dma_wait3A_111] : memref<10112x128xf32, #tpu.memory_space<vmem_shared>> -> memref<10112x128xf32, #tpu.memory_space<vmem_shared>>
    tpu.wait_indirect_dma semaphore(%arg14 : memref<!tpu.dma_semaphore, #tpu.memory_space<semaphore_mem>>) src(%arg9 : memref<128x128xf32, #tpu.memory_space<vmem>>) dst(%dma_wait3A_112 : memref<10112x128xf32, #tpu.memory_space<vmem_shared>>)
    %barrier3A_113 = arith.constant 0 : index
    tpu.barrier barrier_id(%barrier3A_113)
    "tpu.region"() ({
      %run_scoped3A = tpu.sem_alloc : memref<!tpu.dma_semaphore, #tpu.memory_space<semaphore_mem>>
      %dma_start3A_114 = arith.constant 0 : i32
      %dma_start3A_115 = tpu.memref_slice %arg5[%arg0, %mul3A_2, %dma_start3A_114] : memref<2x10112x128xf32, #tpu.memory_space<hbm>> -> memref<1x632x128xf32, #tpu.memory_space<hbm>>
      %dma_start3A_116 = tpu.memref_squeeze %dma_start3A_115 : memref<1x632x128xf32, #tpu.memory_space<hbm>> -> memref<632x128xf32, #tpu.memory_space<hbm>>
      %dma_start3A_117 = arith.constant 0 : i32
      %dma_start3A_118 = tpu.memref_slice %arg10[%mul3A_2, %dma_start3A_117] : memref<10112x128xf32, #tpu.memory_space<vmem_shared>> -> memref<632x128xf32, #tpu.memory_space<vmem_shared>>
      tpu.enqueue_dma source(%dma_start3A_118 : memref<632x128xf32, #tpu.memory_space<vmem_shared>>) target(%dma_start3A_116 : memref<632x128xf32, #tpu.memory_space<hbm>>) target_semaphore(%run_scoped3A : memref<!tpu.dma_semaphore, #tpu.memory_space<semaphore_mem>>)
      %dma_wait3A_119 = arith.constant 0 : i32
      %dma_wait3A_120 = tpu.memref_slice %arg5[%arg0, %mul3A_2, %dma_wait3A_119] : memref<2x10112x128xf32, #tpu.memory_space<hbm>> -> memref<1x632x128xf32, #tpu.memory_space<hbm>>
      %dma_wait3A_121 = tpu.memref_squeeze %dma_wait3A_120 : memref<1x632x128xf32, #tpu.memory_space<hbm>> -> memref<632x128xf32, #tpu.memory_space<hbm>>
      %dma_wait3A_122 = arith.constant 0 : i32
      %dma_wait3A_123 = tpu.memref_slice %arg10[%mul3A_2, %dma_wait3A_122] : memref<10112x128xf32, #tpu.memory_space<vmem_shared>> -> memref<632x128xf32, #tpu.memory_space<vmem_shared>>
      tpu.wait_dma2 semaphore(%run_scoped3A : memref<!tpu.dma_semaphore, #tpu.memory_space<semaphore_mem>>) src(%dma_wait3A_123 : memref<632x128xf32, #tpu.memory_space<vmem_shared>>) dst(%dma_wait3A_121 : memref<632x128xf32, #tpu.memory_space<hbm>>)
      tpu.yield
    }) : () -> ()
    return
  }
}

</mosaic_0001>

<sc_bundles>
// kernel: _sc_aggregate.3.cloned.1.call-start
scs
__scs_entry_jumppad:
0x0: {  	(pc) =	sbr.rel $0x88, $3  }
0x1: {  	(tag) =	ssettag $0x0;
	lr =	simm.s32 $0x1  }
0x2: {  	[smem:$0x3F9E] =	sst lr;
	_ =	strace $0xD0000000  }
0x3: {  	_ = 	snop  }
0x4: {  	_ = 	snop  }
0x5: {  	_ = 	snop  }
0x6: {  	_ = 	snop  }
0x7: {  	_ = 	snop  }
__scs_overlays_trampoline_lowered:
0x8: {  	[smem:$0x3FAD] =	sst s0  }
0x9: {  	[smem:$0x3FAE] =	sst s1  }
0xa: {  	[smem:$0x3FAF] =	sst s2  }
0xb: {  	[smem:$0x3FB0] =	sst s3  }
0xc: {  	[smem:$0x3FB1] =	sst s4  }
0xd: {  	[smem:$0x3FB2] =	sst s5  }
0xe: {  	[smem:$0x3FB3] =	sst s6  }
0xf: {  	[smem:$0x3FB4] =	sst s7  }
0x10: {  	[smem:$0x3FB5] =	sst s8  }
0x11: {  	[smem:$0x3FB6] =	sst s9;
	s0 =	simm.s32 @!p0 $0x0  }
0x12: {  	s1 =	sld [smem:$0x3F9C];
	s0 =	simm.s32 @p0 $0x1  }
0x13: {  	[smem:$0x3FB7] =	sst s0;
	s0 =	simm.s32 @!p1 $0x0  }
0x14: {  	s2 =	sld [smem:$0x3F9B];
	s0 =	simm.s32 @p1 $0x1  }
0x15: {  	[smem:$0x3FB8] =	sst s0;
	s0 =	simm.s32 @!p2 $0x0  }
0x16: {  	s3 =	sld [smem:$0x3FDB];
	s0 =	simm.s32 @p2 $0x1  }
0x17: {  	s4 =	simm.s32 $0x1BF5;
	[smem:$0x3FBA] =	sst s0  }
0x18: {  	s0 =	sld [smem:$0x3F9D];
	_ =	swait.ge [sflag:s4], $0x0  }
0x19: {  	s7 =	sld [smem:$0x3F9E]  }
0x1a: {  	s8 =	sadd.s32 $0xFFFFE003, lr  }
0x1b: {  	s9 =	sadd.s32 $0xFFFFFEF7, lr;
	s5 =	simm.s32 $0xFFFFFFFF;
	p2 =	slt.u32 s8, $0xFFFFF086  }
0x1c: {  	p1 =	slt.u32 s9, $0xF7A;
	s5 =	simm.s32 @!p2 $0x0  }
0x1d: {  	s5 =	simm.s32 @p1 $0x1;
	p0 =	seq.s32 s7, s2  }
0x1e: {  	s7 =	smul.u32 @!p0 $0xF7A, s2;
	p2 =	seq.s32 @!p0 s5, $0x0  }
0x1f: {  	s9 =	smul.u32 $0xF7A, s1;
	s8 =	simm.s32 @!p0 $0x1BF5;
	p2 =	por !p2, p0  }
0x20: {  	[sflag:s8] =	ssyncset.s32 @!p0 $0xFFFFF086;
	s6 =	sadd.s32 @!p0 s3, s7;
	s7 =	simm.s32 @!p0 $0x108  }
0x21: {  	s3 =	sadd.s32 s3, s9;
	s6 =	sadd.s32 @!p0 $0x88, s6;
	s7 =	simm.s32 @p2 $0x1082  }
0x22: {  	[simem:s7], [sflag:s8] =	dma.local @!p0 [hbm:s6], $0xF7A  }
0x23: {  	s9 =	sor.u32 $0xD0000000, s2;
	s6 =	simm.s32 $0x108;
	_ =	swait.ge @!p0 [sflag:s8], $0x0  }
0x24: {  	s3 =	sadd.s32 $0x88, s3;
	s6 =	simm.s32 @!p1 $0x1082;
	[sflag:s4] =	ssyncset.s32 $0xFFFFF086  }
0x25: {  	[simem:s6], [sflag:s4] =	dma.local [hbm:s3], $0xF7A  }
0x26: {  	[smem:$0x3F9E] =	sst s1;
	(tag) =	ssettag s2;
	_ =	strace s9  }
0x27: {  	s1 =	sld [smem:$0x3FAE]  }
0x28: {  	s2 =	sld [smem:$0x3FAF]  }
0x29: {  	s4 =	sld [smem:$0x3FB1]  }
0x2a: {  	p0 =	seq.s32 s5, $0x0;
	s5 =	sld [smem:$0x3FB2]  }
0x2b: {  	s6 =	sld [smem:$0x3FB3]  }
0x2c: {  	s7 =	sld [smem:$0x3FB4]  }
0x2d: {  	s3 =	simm.s32 $0x108;
	s8 =	sld [smem:$0x3FB5]  }
0x2e: {  	s3 =	simm.s32 @!p0 $0x1082;
	s9 =	sld [smem:$0x3FB6]  }
0x2f: {  	lr =	sadd.s32 s0, s3;
	s0 =	sld [smem:$0x3FAD]  }
0x30: {  	s3 =	sld [smem:$0x3FB0]  }
0x31: {  	[smem:$0x3FB9] =	sst s10  }
0x32: {  	s10 =	sld [smem:$0x3FB7];
	_ =	sdelay $0x3  }
0x33: {  	p0 =	seq.s32 s10, $0x1;
	s10 =	sld [smem:$0x3FB9];
	_ =	sdelay $0x3  }
0x34: {  	[smem:$0x3FB9] =	sst s10  }
0x35: {  	s10 =	sld [smem:$0x3FB8];
	_ =	sdelay $0x3  }
0x36: {  	p1 =	seq.s32 s10, $0x1;
	s10 =	sld [smem:$0x3FB9];
	_ =	sdelay $0x3  }
0x37: {  	[smem:$0x3FB9] =	sst s10  }
0x38: {  	s10 =	sld [smem:$0x3FBA]  }
0x39: {  	_ = 	snop;
	(pc) =	sbr.ind lr, $3  }
0x3a: {  	_ = 	snop  }
0x3b: {  	_ = 	snop  }
0x3c: {  	p2 =	seq.s32 s10, $0x1;
	s10 =	sld [smem:$0x3FB9]  }
0x3d: {  	_ =	shalt  }
0x3e: {  	_ =	shalt  }
0x3f: {  	_ =	shalt  }
0x40: {  	_ =	shalt  }
0x41: {  	_ =	shalt  }
0x42: {  	_ =	shalt  }
0x43: {  	_ =	shalt  }
0x44: {  	_ =	shalt  }
0x45: {  	_ =	shalt  }
0x46: {  	_ =	shalt  }
0x47: {  	_ =	shalt  }
0x48: {  	_ =	shalt  }
0x49: {  	_ =	shalt  }
0x4a: {  	_ =	shalt  }
0x4b: {  	_ =	shalt  }
0x4c: {  	_ =	shalt  }
0x4d: {  	_ =	shalt  }
0x4e: {  	_ =	shalt  }
0x4f: {  	_ =	shalt  }
0x50: {  	_ =	shalt  }
0x51: {  	_ =	shalt  }
0x52: {  	_ =	shalt  }
0x53: {  	_ =	shalt  }
0x54: {  	_ =	shalt  }
0x55: {  	_ =	shalt  }
0x56: {  	_ =	shalt  }
0x57: {  	_ =	shalt  }
0x58: {  	_ =	shalt  }
0x59: {  	_ =	shalt  }
0x5a: {  	_ =	shalt  }
0x5b: {  	_ =	shalt  }
0x5c: {  	_ =	shalt  }
0x5d: {  	_ =	shalt  }
0x5e: {  	_ =	shalt  }
0x5f: {  	_ =	shalt  }
0x60: {  	_ =	shalt  }
0x61: {  	_ =	shalt  }
0x62: {  	_ =	shalt  }
0x63: {  	_ =	shalt  }
0x64: {  	_ =	shalt  }
0x65: {  	_ =	shalt  }
0x66: {  	_ =	shalt  }
0x67: {  	_ =	shalt  }
0x68: {  	_ =	shalt  }
0x69: {  	_ =	shalt  }
0x6a: {  	_ =	shalt  }
0x6b: {  	_ =	shalt  }
0x6c: {  	_ =	shalt  }
0x6d: {  	_ =	shalt  }
0x6e: {  	_ =	shalt  }
0x6f: {  	_ =	shalt  }
0x70: {  	_ =	shalt  }
0x71: {  	_ =	shalt  }
0x72: {  	_ =	shalt  }
0x73: {  	_ =	shalt  }
0x74: {  	_ =	shalt  }
0x75: {  	_ =	shalt  }
0x76: {  	_ =	shalt  }
0x77: {  	_ =	shalt  }
0x78: {  	_ =	shalt  }
0x79: {  	_ =	shalt  }
0x7a: {  	_ =	shalt  }
0x7b: {  	_ =	shalt  }
0x7c: {  	_ =	shalt  }
0x7d: {  	_ =	shalt  }
0x7e: {  	_ =	shalt  }
0x7f: {  	_ =	shalt  }
0x80: {  	_ =	shalt  }
0x81: {  	_ =	shalt  }
0x82: {  	_ =	shalt  }
0x83: {  	_ =	shalt  }
0x84: {  	_ =	shalt  }
0x85: {  	_ =	shalt  }
0x86: {  	_ =	shalt  }
0x87: {  	_ =	shalt  }
.Lfunc_end0:
.L_simem_size_0:
called_computation_lowered:
.L_overlay_start_0:
0x88: {  	s2 =	sld [smem:$0x3FD9]  }
0x89: {  	s3 =	sld [smem:$0x3FFE];
	_ =	sdelay $0x1  }
0x8a: {  	s1 =	srdreg.scid  }
0x8b: {  	s0 =	sand.u32 $0x1, s1  }
0x8c: {  	s18 =	sshll.u32 s0, $0xA;
	s2 =	sadd.s32 s3, s2  }
0x8d: {  	s2 =	sadd.s32 s2, s18  }
0x8e: {  	[smem:$0x3FC5] =	sst s2  }
0x8f: {  	_ = 	snop  }
0x90: {  	s2 =	sld [smem:$0x3FC9]  }
0x91: {  	s19 =	sld [smem:$0x3FC8]  }
0x92: {  	s4 =	sld [smem:$0x3FC7]  }
0x93: {  	s5 =	sld [smem:$0x3FD0];
	(tm) =	ssettm $0x1  }
0x94: {  	s6 =	sld [smem:$0x3FFB];
	_ =	sdelay $0x3  }
0x95: {  	_ =	strace s6  }
0x96: {  	s6 =	sld [smem:$0x3FFC];
	_ =	sdelay $0x3  }
0x97: {  	_ =	strace s6  }
0x98: {  	s6 =	sld [smem:$0x3FFD];
	_ =	sdelay $0x3  }
0x99: {  	_ =	strace s6  }
0x9a: {  	_ =	strace $0x8FFFFFFF  }
0x9b: {  	s20 =	sld [smem:$0x3FDB];
	_ =	sdelay $0x1  }
0x9c: {  	s7 =	simm.s32 $_scs_section_size  }
0x9d: {  	s8 =	simm.s32 $_size__tile_overlayer_lowered;
	s9 =	simm.s32 $_tile_overlayer_lowered  }
0x9e: {  	s23 =	simm.s32 $0x1BFF;
	s22 =	sshll.u32 s9, $0x1;
	s6 =	sadd.s32 s7, s20  }
0x9f: {  	s10 =	simm.s32 $0x0;
	s21 =	sshll.u32 s8, $0x1;
	s8 =	sadd.s32 s22, s6  }
0xa0: {  	[timem:s10], [sflag:s23] =	dma.local [hbm:s8], s21  }
0xa1: {  	_ =	swait.ge [sflag:s23], s21  }
0xa2: {  	s7 =	ssub.s32 $0x0, s21;
	[sflag:s23] =	ssyncset.done $0x0  }
0xa3: {  	[sflag:s23] =	ssyncadd.s32 s7;
	_ =	sdelay $0x1  }
0xa4: {  	s24 =	simm.s32 $0x1B8B  }
0xa5: {  	_ =	swait.ge [sflag:s24], $0x1  }
0xa6: {  	[sflag:s24] =	ssyncset.done $0x0  }
0xa7: {  	s25 =	simm.s32 $0x1B8E;
	[sflag:s24] =	ssyncadd.s32 $0xFFFFFFFF  }
0xa8: {  	s26 =	simm.s32 $execute0_lowered;
	[smem:$0x3FD2] =	sst s25  }
0xa9: {  	s7 =	sshll.u32 s26, $0x1;
	_ =	strace $0x80000046;
	[dreg:$0x1] =	wrdreg $0xFFFFFFFF  }
0xaa: {  	s28 =	simm.s32 $_size_execute0_lowered;
	s6 =	sadd.s32 s6, s7;
	[dreg:$0x0] =	wrdreg $0x0  }
0xab: {  	s7 =	sshll.u32 s28, $0x1;
	[dreg:$0x2] =	wrdreg s6  }
0xac: {  	[dreg:$0x3] =	wrdreg s7  }
0xad: {  	[dreg:$0x4] =	wrdreg $0xC0  }
0xae: {  	_ =	task [dreg:s10], $0x5FFFF  }
0xaf: {  	[dreg:$0x1] =	wrdreg $0xFFFFFFFF  }
0xb0: {  	[dreg:$0x0] =	wrdreg $0x60  }
0xb1: {  	[dreg:$0x2] =	wrdreg s2  }
0xb2: {  	[dreg:$0x3] =	wrdreg s19  }
0xb3: {  	[dreg:$0x4] =	wrdreg s4  }
0xb4: {  	[dreg:$0x5] =	wrdreg s5  }
0xb5: {  	[dreg:$0x6] =	wrdreg $0xA0000  }
0xb6: {  	[dreg:$0x7] =	wrdreg $0x9  }
0xb7: {  	_ =	task.clear_ibuf [dreg:s10], $0x8FFFF;
	_ =	strace $0x90000046  }
0xb8: {  	s29 =	simm.s32 $0x9;
	_ =	strace $0x80000048  }
0xb9: {  	_ =	swait.ge [sflag:s29], $0x1  }
0xba: {  	[sflag:s29] =	ssyncadd.s32 $0xFFFFFFFF  }
0xbb: {  	_ =	strace $0x90000048  }
0xbc: {  	_ =	sfence  }
0xbd: {  	s30 =	sld [smem:$0x0];
	_ =	sdelay $0x2  }
0xbe: {  	s31 =	sshll.u32 s1, $0xD;
	s1 =	sshrl.u32 s1, $0x2  }
0xbf: {  	s3 =	sand.u32 $0x4000, s31;
	s1 =	sadd.s32 s1, s30  }
0xc0: {  	s0 =	sor.u32 s3, s0;
	s1 =	sshll.u32 s1, $0x11  }
0xc1: {  	s0 =	sor.u32 s1, s0  }
0xc2: {  	s0 =	sadd.s32 $0x8F2B, s0  }
0xc3: {  	[sflag:s0] =	ssyncadd.remote.s32 $0x1  }
0xc4: {  	_ =	sfence.sel $0xFFFF  }
0xc5: {  	[dreg:$0x0] =	wrdreg $0xFFFFFFFF;
	(pc) =	sbr.abs _section_cstart, $3  }
0xc6: {  	[dreg:$0x1] =	wrdreg $0xFFFFFFFF  }
0xc7: {  	_ =	task.clear_ibuf [dreg:s10], $0x2FFFF;
	_ =	strace $0x9FFFFFFF  }
0xc8: {  	(tm) =	ssettm $0x7FFFFFFF  }
0xc9: {  	_ =	shalt  }
tec
execute0_lowered:
.L_overlay_start_1:
0x0: {  	(tag) =	ssettag $0x1  }
0x1: {  	s1 =	rddreg [dreg:$0x0]  }
0x2: {  	s2 =	rddreg [dreg:$0x1]  }
0x3: {  	s3 =	rddreg [dreg:$0x2]  }
0x4: {  	s0 =	rddreg [dreg:$0x3]  }
0x5: {  	s5 =	rddreg [dreg:$0x4];
	s4 =	srdreg.scid;
	s6 =	simm.s32 $0x0  }
0x6: {  	s11 =	stileid.u32;
	s17 =	simm.s32 $0x2000;
	s18 =	simm.s32 $0x7  }
0x7: {  	s20 =	simm.s32 $0x5;
	s21 =	simm.s32 $0x6;
	s8 =	smul.u32 $0x4F000, s11  }
0x8: {  	s22 =	simm.s32 $0x80;
	s28 =	simm.s32 $0x4;
	s13 =	smul.u32 $0x13C00, s11  }
0x9: {  	s4 =	sand.u32 $0x1, s4;
	[smem:$0x7FF] =	sst s6;
	s16 =	smul.u32 $0x2800, s11  }
0xa: {  	s7 =	sshll.u32 s4, $0x4;
	_ =	strace $0x80000047;
	s23 =	smul.u32 $0x13C000, s4  }
0xb: {  	s9 =	ssub.s32 $0x2, s4;
	s4 =	smul.u32 $0x28000, s4;
	s7 =	sor.u32 s11, s7  }
0xc: {  	s10 =	sshrl.u32 s9, $0x1;
	s8 =	sshrl.u32 s8, $0x2;
	s12 =	smul.u32 $0x2800, s7  }
0xd: {  	s9 =	ssub.s32 s9, s10;
	s7 =	sadd.s32 s8, s5;
	s8 =	sadd.s32 s13, s23  }
0xe: {  	s31 =	sadd.s32 s16, s4;
	s23 =	simm.s32 $0x6000;
	s24 =	sadd.s32 $0x4000, s7  }
0xf: {  	s25 =	sadd.s32 $0x8000, s7;
	s26 =	sadd.s32 $0xC000, s7;
	[dreg:$0x6] =	wrdreg s24  }
0x10: {  	s29 =	sadd.s32 $0x10000, s7;
	s8 =	sshrl.u32 s8, $0x3;
	[dreg:$0x7] =	wrdreg s25  }
0x11: {  	s15 =	smax.u32 s9, $0x1;
	s16 =	sadd.s32 $0x800, s31;
	[dreg:$0x8] =	wrdreg s26  }
0x12: {  	[dreg:$0x9] =	wrdreg s29;
	s14 =	sshrl.u32 s12, $0x3;
	s24 =	simm.s32 $0x1  }
0x13: {  	s25 =	simm.s32 $0x3;
	s26 =	simm.s32 $0x2;
	s30 =	sadd.s32 s2, s14  }
0x14: {  	v0 =	vimm.f32 $0.0e+00;
	s13 =	sadd.s32 s3, s14;
	s14 =	sadd.s32 s0, s8;
	[dreg:$0xa] =	wrdreg s30  }
.LBB2_1:
0x15: {  	s0 =	simm.s32 $0x0;
	s4 =	simm.s32 $0x200  }
.LBB2_2:
0x16: {  	p0 =	sne.s32 s4, $0xFE00;
	[tilespmem:s0+$0x2070] =	vst v0  }
0x17: {  	[tilespmem:s0+$0x2000] =	vst v0  }
0x18: {  	[tilespmem:s0+$0x2010] =	vst v0  }
.Ltmp0:
0x19: {  	[tilespmem:s0+$0x2020] =	vst v0;
	(pc) =	sbr.rel @p0 .LBB2_2-.Ltmp0, $4  }
0x1a: {  	[tilespmem:s0+$0x2030] =	vst v0  }
0x1b: {  	[tilespmem:s0+$0x2040] =	vst v0  }
0x1c: {  	[tilespmem:s0+$0x2050] =	vst v0  }
0x1d: {  	[tilespmem:s0+$0x2060] =	vst v0;
	s0 =	sshra.s32 s4, $0x2;
	s4 =	sadd.s32 $0x200, s4  }
0x1e: {  	[tilespmem:s0+$0x2070] =	vst v0  }
0x1f: {  	[tilespmem:s0+$0x2000] =	vst v0  }
0x20: {  	[tilespmem:s0+$0x2010] =	vst v0  }
0x21: {  	[tilespmem:s0+$0x2020] =	vst v0  }
0x22: {  	[tilespmem:s0+$0x2030] =	vst v0  }
0x23: {  	[tilespmem:s0+$0x2040] =	vst v0  }
0x24: {  	[tilespmem:s0+$0x2050] =	vst v0  }
0x25: {  	[tilespmem:s0+$0x2060] =	vst v0  }
0x26: {  	[spmem:s7] =	stream.linear.scatter [tilespmem:s17], [sflag:$0x7], $0x4000, $0x38;
	[tilespmem:$0x1DC00] =	vst v63  }
0x27: {  	_ =	swait.ge [sflag:s18], $0x4000  }
0x28: {  	[sflag:s18] =	ssyncset.done $0x0  }
0x29: {  	s12 =	rddreg [dreg:$0x6];
	[sflag:s18] =	ssyncadd.s32 $0xFFFFC000  }
0x2a: {  	[spmem:s12] =	stream.linear.scatter [tilespmem:s17], [sflag:$0x7], $0x4000, $0x38;
	[tilespmem:$0x1DC00] =	vst v63  }
0x2b: {  	_ =	swait.ge [sflag:s18], $0x4000  }
0x2c: {  	[sflag:s18] =	ssyncset.done $0x0  }
0x2d: {  	s19 =	rddreg [dreg:$0x7];
	[sflag:s18] =	ssyncadd.s32 $0xFFFFC000  }
0x2e: {  	[spmem:s19] =	stream.linear.scatter [tilespmem:s17], [sflag:$0x7], $0x4000, $0x38;
	[tilespmem:$0x1DC00] =	vst v63  }
0x2f: {  	_ =	swait.ge [sflag:s18], $0x4000  }
0x30: {  	[sflag:s18] =	ssyncset.done $0x0  }
0x31: {  	s4 =	rddreg [dreg:$0x8];
	[sflag:s18] =	ssyncadd.s32 $0xFFFFC000  }
0x32: {  	[spmem:s4] =	stream.linear.scatter [tilespmem:s17], [sflag:$0x7], $0x4000, $0x38;
	[tilespmem:$0x1DC00] =	vst v63  }
0x33: {  	_ =	swait.ge [sflag:s18], $0x4000  }
0x34: {  	[sflag:s18] =	ssyncset.done $0x0  }
0x35: {  	s8 =	rddreg [dreg:$0x9];
	[sflag:s18] =	ssyncadd.s32 $0xFFFFC000  }
0x36: {  	[spmem:s8] =	stream.linear.scatter [tilespmem:s17], [sflag:$0x7], $0x3C00, $0x38;
	[tilespmem:$0x1DC00] =	vst v63  }
0x37: {  	_ =	swait.ge [sflag:s18], $0x3C00  }
0x38: {  	[sflag:s18] =	ssyncset.done $0x0  }
0x39: {  	[sflag:s18] =	ssyncadd.s32 $0xFFFFC400  }
0x3a: {  	[bflag:$0x0] =	sbarrier.arrive $0xFFFF  }
0x3b: {  	s9 =	simm.s32 $0x0;
	s4 =	rddreg [dreg:$0xa]  }
0x3c: {  	[tilespmem:s9], [sflag:$0x5] =	stream.linear.gather [hbm4b:s4+s9], $0x800, $0x38;
	[tilespmem:$0x1DC00] =	vst v63  }
0x3d: {  	s10 =	simm.s32 $0x1000  }
0x3e: {  	[tilespmem:s10], [sflag:$0x6] =	stream.linear.gather [hbm4b:s13+s9], $0x800, $0x38;
	[tilespmem:$0x1DC00] =	vst v63  }
0x3f: {  	_ =	swait.ge [sflag:s20], $0x800  }
0x40: {  	[sflag:s20] =	ssyncset.done $0x0  }
0x41: {  	[sflag:s20] =	ssyncadd.s32 $0xFFFFF800  }
0x42: {  	_ =	swait.ge [sflag:s21], $0x800  }
0x43: {  	p0 =	por $0x1, $0x1;
	[sflag:s21] =	ssyncset.done $0x0  }
0x44: {  	s4 =	simm.s32 @!p0 $0x4;
	[sflag:s21] =	ssyncadd.s32 $0xFFFFF800  }
0x45: {  	[tilespmem:s17], [sflag:$0x1] =	stream.indirect.gather [hbm4b:s1+s22], $0x80, s9, s22, $0xb8;
	[tilespmem:$0x1DC00] =	vst v63  }
0x46: {  	s8 =	sand.u32 $0x1, s9;
	_ =	swait.ge @!p0 [sflag:s4], $0x4000  }
0x47: {  	s0 =	sshll.u32 s8, $0xB;
	[sflag:s4] =	ssyncset.done @!p0 $0x0  }
0x48: {  	s9 =	sor.u32 $0x80, s0;
	[sflag:s4] =	ssyncadd.s32 @!p0 $0xFFFFC000  }
0x49: {  	[tilespmem:s23], [sflag:$0x2] =	stream.indirect.gather [hbm4b:s1+s22], $0x80, s9, s22, $0xb8;
	[tilespmem:$0x1DC00] =	vst v63  }
0x4a: {  	_ =	swait.ge [sflag:s24], $0x4000  }
0x4b: {  	s11 =	sor.u32 $0x1000, s0;
	p0 =	por $0x0, $0x0;
	[sflag:s24] =	ssyncset.done $0x0  }
0x4c: {  	s4 =	sxor.u32 $0x1, s8;
	s19 =	sshrl.u32 @!p0 s16, $0x3;
	[sflag:s24] =	ssyncadd.s32 $0xFFFFC000  }
0x4d: {  	[spmem:s5] =	stream.indirect.scatter.add.f32 [tilespmem:s17], [sflag:$0x3], $0x80, s11, s22, $0xb8;
	[tilespmem:$0x1DC00] =	vst v63  }
0x4e: {  	s8 =	simm.s32 @!p0 $0x0;
	s29 =	sshll.u32 @!p0 s4, $0xB;
	s4 =	sadd.s32 @!p0 s2, s19  }
0x4f: {  	[tilespmem:s29], [sflag:$0x5] =	stream.linear.gather @!p0 [hbm4b:s4+s8], $0x800, $0x38;
	[tilespmem:$0x1DC00] =	vst v63  }
0x50: {  	s4 =	sadd.s32 @!p0 s3, s19;
	s19 =	sor.u32 @!p0 $0x1000, s29  }
0x51: {  	[tilespmem:s19], [sflag:$0x6] =	stream.linear.gather @!p0 [hbm4b:s4+s8], $0x800, $0x38;
	[tilespmem:$0x1DC00] =	vst v63  }
0x52: {  	_ =	swait.ge [sflag:s25], $0x4000  }
0x53: {  	[sflag:s25] =	ssyncset.done $0x0  }
0x54: {  	s12 =	sor.u32 $0x100, s0;
	[sflag:s25] =	ssyncadd.s32 $0xFFFFC000  }
0x55: {  	[tilespmem:s17], [sflag:$0x1] =	stream.indirect.gather [hbm4b:s1+s22], $0x80, s12, s22, $0xb8;
	[tilespmem:$0x1DC00] =	vst v63  }
0x56: {  	_ =	swait.ge [sflag:s26], $0x4000  }
0x57: {  	[sflag:s26] =	ssyncset.done $0x0  }
0x58: {  	s19 =	sor.u32 $0x1000, s9;
	[sflag:s26] =	ssyncadd.s32 $0xFFFFC000  }
0x59: {  	[spmem:s5] =	stream.indirect.scatter.add.f32 [tilespmem:s23], [sflag:$0x4], $0x80, s19, s22, $0xb8;
	[tilespmem:$0x1DC00] =	vst v63  }
0x5a: {  	_ =	swait.ge [sflag:s28], $0x4000  }
0x5b: {  	[sflag:s28] =	ssyncset.done $0x0  }
0x5c: {  	s8 =	sor.u32 $0x180, s0;
	[sflag:s28] =	ssyncadd.s32 $0xFFFFC000  }
0x5d: {  	[tilespmem:s23], [sflag:$0x2] =	stream.indirect.gather [hbm4b:s1+s22], $0x80, s8, s22, $0xb8;
	[tilespmem:$0x1DC00] =	vst v63  }
0x5e: {  	_ =	swait.ge [sflag:s24], $0x4000  }
0x5f: {  	[sflag:s24] =	ssyncset.done $0x0  }
0x60: {  	s9 =	sor.u32 $0x1100, s0;
	[sflag:s24] =	ssyncadd.s32 $0xFFFFC000  }
0x61: {  	[spmem:s5] =	stream.indirect.scatter.add.f32 [tilespmem:s17], [sflag:$0x3], $0x80, s9, s22, $0xb8;
	[tilespmem:$0x1DC00] =	vst v63  }
0x62: {  	_ =	swait.ge [sflag:s25], $0x4000  }
0x63: {  	[sflag:s25] =	ssyncset.done $0x0  }
0x64: {  	s10 =	sor.u32 $0x200, s0;
	[sflag:s25] =	ssyncadd.s32 $0xFFFFC000  }
0x65: {  	[tilespmem:s17], [sflag:$0x1] =	stream.indirect.gather [hbm4b:s1+s22], $0x80, s10, s22, $0xb8;
	[tilespmem:$0x1DC00] =	vst v63  }
0x66: {  	_ =	swait.ge [sflag:s26], $0x4000  }
0x67: {  	[sflag:s26] =	ssyncset.done $0x0  }
0x68: {  	s11 =	sor.u32 $0x1180, s0;
	[sflag:s26] =	ssyncadd.s32 $0xFFFFC000  }
0x69: {  	[spmem:s5] =	stream.indirect.scatter.add.f32 [tilespmem:s23], [sflag:$0x4], $0x80, s11, s22, $0xb8;
	[tilespmem:$0x1DC00] =	vst v63  }
0x6a: {  	_ =	swait.ge [sflag:s28], $0x4000  }
0x6b: {  	[sflag:s28] =	ssyncset.done $0x0  }
0x6c: {  	s12 =	sor.u32 $0x280, s0;
	[sflag:s28] =	ssyncadd.s32 $0xFFFFC000  }
0x6d: {  	[tilespmem:s23], [sflag:$0x2] =	stream.indirect.gather [hbm4b:s1+s22], $0x80, s12, s22, $0xb8;
	[tilespmem:$0x1DC00] =	vst v63  }
0x6e: {  	_ =	swait.ge [sflag:s24], $0x4000  }
0x6f: {  	[sflag:s24] =	ssyncset.done $0x0  }
0x70: {  	s19 =	sor.u32 $0x1200, s0;
	[sflag:s24] =	ssyncadd.s32 $0xFFFFC000  }
0x71: {  	[spmem:s5] =	stream.indirect.scatter.add.f32 [tilespmem:s17], [sflag:$0x3], $0x80, s19, s22, $0xb8;
	[tilespmem:$0x1DC00] =	vst v63  }
0x72: {  	_ =	swait.ge [sflag:s25], $0x4000  }
0x73: {  	[sflag:s25] =	ssyncset.done $0x0  }
0x74: {  	s8 =	sor.u32 $0x300, s0;
	[sflag:s25] =	ssyncadd.s32 $0xFFFFC000  }
0x75: {  	[tilespmem:s17], [sflag:$0x1] =	stream.indirect.gather [hbm4b:s1+s22], $0x80, s8, s22, $0xb8;
	[tilespmem:$0x1DC00] =	vst v63  }
0x76: {  	_ =	swait.ge [sflag:s26], $0x4000  }
0x77: {  	[sflag:s26] =	ssyncset.done $0x0  }
0x78: {  	s9 =	sor.u32 $0x1280, s0;
	[sflag:s26] =	ssyncadd.s32 $0xFFFFC000  }
0x79: {  	[spmem:s5] =	stream.indirect.scatter.add.f32 [tilespmem:s23], [sflag:$0x4], $0x80, s9, s22, $0xb8;
	[tilespmem:$0x1DC00] =	vst v63  }
0x7a: {  	_ =	swait.ge [sflag:s28], $0x4000  }
0x7b: {  	[sflag:s28] =	ssyncset.done $0x0  }
0x7c: {  	s10 =	sor.u32 $0x380, s0;
	[sflag:s28] =	ssyncadd.s32 $0xFFFFC000  }
0x7d: {  	[tilespmem:s23], [sflag:$0x2] =	stream.indirect.gather [hbm4b:s1+s22], $0x80, s10, s22, $0xb8;
	[tilespmem:$0x1DC00] =	vst v63  }
0x7e: {  	_ =	swait.ge [sflag:s24], $0x4000  }
0x7f: {  	[sflag:s24] =	ssyncset.done $0x0  }
0x80: {  	s11 =	sor.u32 $0x1300, s0;
	[sflag:s24] =	ssyncadd.s32 $0xFFFFC000  }
0x81: {  	[spmem:s5] =	stream.indirect.scatter.add.f32 [tilespmem:s17], [sflag:$0x3], $0x80, s11, s22, $0xb8;
	[tilespmem:$0x1DC00] =	vst v63  }
0x82: {  	_ =	swait.ge [sflag:s25], $0x4000  }
0x83: {  	[sflag:s25] =	ssyncset.done $0x0  }
0x84: {  	s12 =	sor.u32 $0x400, s0;
	[sflag:s25] =	ssyncadd.s32 $0xFFFFC000  }
0x85: {  	[tilespmem:s17], [sflag:$0x1] =	stream.indirect.gather [hbm4b:s1+s22], $0x80, s12, s22, $0xb8;
	[tilespmem:$0x1DC00] =	vst v63  }
0x86: {  	_ =	swait.ge [sflag:s26], $0x4000  }
0x87: {  	[sflag:s26] =	ssyncset.done $0x0  }
0x88: {  	s19 =	sor.u32 $0x1380, s0;
	[sflag:s26] =	ssyncadd.s32 $0xFFFFC000  }
0x89: {  	[spmem:s5] =	stream.indirect.scatter.add.f32 [tilespmem:s23], [sflag:$0x4], $0x80, s19, s22, $0xb8;
	[tilespmem:$0x1DC00] =	vst v63  }
0x8a: {  	_ =	swait.ge [sflag:s28], $0x4000  }
0x8b: {  	[sflag:s28] =	ssyncset.done $0x0  }
0x8c: {  	s8 =	sor.u32 $0x480, s0;
	[sflag:s28] =	ssyncadd.s32 $0xFFFFC000  }
0x8d: {  	[tilespmem:s23], [sflag:$0x2] =	stream.indirect.gather [hbm4b:s1+s22], $0x80, s8, s22, $0xb8;
	[tilespmem:$0x1DC00] =	vst v63  }
0x8e: {  	_ =	swait.ge [sflag:s24], $0x4000  }
0x8f: {  	[sflag:s24] =	ssyncset.done $0x0  }
0x90: {  	s9 =	sor.u32 $0x1400, s0;
	[sflag:s24] =	ssyncadd.s32 $0xFFFFC000  }
0x91: {  	[spmem:s5] =	stream.indirect.scatter.add.f32 [tilespmem:s17], [sflag:$0x3], $0x80, s9, s22, $0xb8;
	[tilespmem:$0x1DC00] =	vst v63  }
0x92: {  	_ =	swait.ge [sflag:s25], $0x4000  }
0x93: {  	[sflag:s25] =	ssyncset.done $0x0  }
0x94: {  	s10 =	sor.u32 $0x500, s0;
	[sflag:s25] =	ssyncadd.s32 $0xFFFFC000  }
0x95: {  	[tilespmem:s17], [sflag:$0x1] =	stream.indirect.gather [hbm4b:s1+s22], $0x80, s10, s22, $0xb8;
	[tilespmem:$0x1DC00] =	vst v63  }
0x96: {  	_ =	swait.ge [sflag:s26], $0x4000  }
0x97: {  	[sflag:s26] =	ssyncset.done $0x0  }
0x98: {  	s11 =	sor.u32 $0x1480, s0;
	[sflag:s26] =	ssyncadd.s32 $0xFFFFC000  }
0x99: {  	[spmem:s5] =	stream.indirect.scatter.add.f32 [tilespmem:s23], [sflag:$0x4], $0x80, s11, s22, $0xb8;
	[tilespmem:$0x1DC00] =	vst v63  }
0x9a: {  	_ =	swait.ge [sflag:s28], $0x4000  }
0x9b: {  	[sflag:s28] =	ssyncset.done $0x0  }
0x9c: {  	s12 =	sor.u32 $0x580, s0;
	[sflag:s28] =	ssyncadd.s32 $0xFFFFC000  }
0x9d: {  	[tilespmem:s23], [sflag:$0x2] =	stream.indirect.gather [hbm4b:s1+s22], $0x80, s12, s22, $0xb8;
	[tilespmem:$0x1DC00] =	vst v63  }
0x9e: {  	_ =	swait.ge [sflag:s24], $0x4000  }
0x9f: {  	[sflag:s24] =	ssyncset.done $0x0  }
0xa0: {  	s19 =	sor.u32 $0x1500, s0;
	[sflag:s24] =	ssyncadd.s32 $0xFFFFC000  }
0xa1: {  	[spmem:s5] =	stream.indirect.scatter.add.f32 [tilespmem:s17], [sflag:$0x3], $0x80, s19, s22, $0xb8;
	[tilespmem:$0x1DC00] =	vst v63  }
0xa2: {  	_ =	swait.ge [sflag:s25], $0x4000  }
0xa3: {  	[sflag:s25] =	ssyncset.done $0x0  }
0xa4: {  	s8 =	sor.u32 $0x600, s0;
	[sflag:s25] =	ssyncadd.s32 $0xFFFFC000  }
0xa5: {  	[tilespmem:s17], [sflag:$0x1] =	stream.indirect.gather [hbm4b:s1+s22], $0x80, s8, s22, $0xb8;
	[tilespmem:$0x1DC00] =	vst v63  }
0xa6: {  	_ =	swait.ge [sflag:s26], $0x4000  }
0xa7: {  	[sflag:s26] =	ssyncset.done $0x0  }
0xa8: {  	s9 =	sor.u32 $0x1580, s0;
	[sflag:s26] =	ssyncadd.s32 $0xFFFFC000  }
0xa9: {  	[spmem:s5] =	stream.indirect.scatter.add.f32 [tilespmem:s23], [sflag:$0x4], $0x80, s9, s22, $0xb8;
	[tilespmem:$0x1DC00] =	vst v63  }
0xaa: {  	_ =	swait.ge [sflag:s28], $0x4000  }
0xab: {  	[sflag:s28] =	ssyncset.done $0x0  }
0xac: {  	s10 =	sor.u32 $0x680, s0;
	[sflag:s28] =	ssyncadd.s32 $0xFFFFC000  }
0xad: {  	[tilespmem:s23], [sflag:$0x2] =	stream.indirect.gather [hbm4b:s1+s22], $0x80, s10, s22, $0xb8;
	[tilespmem:$0x1DC00] =	vst v63  }
0xae: {  	_ =	swait.ge [sflag:s24], $0x4000  }
0xaf: {  	[sflag:s24] =	ssyncset.done $0x0  }
0xb0: {  	s11 =	sor.u32 $0x1600, s0;
	[sflag:s24] =	ssyncadd.s32 $0xFFFFC000  }
0xb1: {  	[spmem:s5] =	stream.indirect.scatter.add.f32 [tilespmem:s17], [sflag:$0x3], $0x80, s11, s22, $0xb8;
	[tilespmem:$0x1DC00] =	vst v63  }
0xb2: {  	_ =	swait.ge [sflag:s25], $0x4000  }
0xb3: {  	[sflag:s25] =	ssyncset.done $0x0  }
0xb4: {  	s12 =	sor.u32 $0x700, s0;
	[sflag:s25] =	ssyncadd.s32 $0xFFFFC000  }
0xb5: {  	[tilespmem:s17], [sflag:$0x1] =	stream.indirect.gather [hbm4b:s1+s22], $0x80, s12, s22, $0xb8;
	[tilespmem:$0x1DC00] =	vst v63  }
0xb6: {  	_ =	swait.ge [sflag:s26], $0x4000  }
0xb7: {  	[sflag:s26] =	ssyncset.done $0x0  }
0xb8: {  	s19 =	sor.u32 $0x1680, s0;
	[sflag:s26] =	ssyncadd.s32 $0xFFFFC000  }
0xb9: {  	[spmem:s5] =	stream.indirect.scatter.add.f32 [tilespmem:s23], [sflag:$0x4], $0x80, s19, s22, $0xb8;
	[tilespmem:$0x1DC00] =	vst v63  }
0xba: {  	_ =	swait.ge [sflag:s28], $0x4000  }
0xbb: {  	[sflag:s28] =	ssyncset.done $0x0  }
0xbc: {  	s9 =	sor.u32 $0x780, s0;
	[sflag:s28] =	ssyncadd.s32 $0xFFFFC000  }
0xbd: {  	[tilespmem:s23], [sflag:$0x2] =	stream.indirect.gather [hbm4b:s1+s22], $0x80, s9, s22, $0xb8;
	[tilespmem:$0x1DC00] =	vst v63  }
0xbe: {  	_ =	swait.ge [sflag:s24], $0x4000  }
0xbf: {  	[sflag:s24] =	ssyncset.done $0x0  }
0xc0: {  	s4 =	simm.s32 @!p0 $0x3;
	s0 =	sor.u32 $0x1700, s0;
	[sflag:s24] =	ssyncadd.s32 $0xFFFFC000  }
0xc1: {  	[spmem:s5] =	stream.indirect.scatter.add.f32 [tilespmem:s17], [sflag:$0x3], $0x80, s0, s22, $0xb8;
	[tilespmem:$0x1DC00] =	vst v63  }
0xc2: {  	_ =	swait.ge @!p0 [sflag:s4], $0x4000  }
0xc3: {  	[sflag:s4] =	ssyncset.done @!p0 $0x0  }
0xc4: {  	s19 =	simm.s32 @!p0 $0x5;
	[sflag:s4] =	ssyncadd.s32 @!p0 $0xFFFFC000  }
0xc5: {  	_ =	swait.ge @!p0 [sflag:s19], $0x800  }
0xc6: {  	s30 =	simm.s32 $0x1;
	s31 =	smov.u32 s16;
	[sflag:s19] =	ssyncset.done @!p0 $0x0  }
0xc7: {  	s8 =	simm.s32 @!p0 $0x6;
	s0 =	simm.s32 $0x2;
	[sflag:s19] =	ssyncadd.s32 @!p0 $0xFFFFF800  }
0xc8: {  	s4 =	simm.s32 @!p0 $0x2000;
	s19 =	simm.s32 @!p0 $0x80;
	_ =	swait.ge @!p0 [sflag:s8], $0x800  }
.LBB2_4:
0xc9: {  	[sflag:s8] =	ssyncset.done @!p0 $0x0  }
0xca: {  	s31 =	sadd.s32 $0x800, s31;
	s10 =	smov.u32 s0;
	s0 =	sadd.s32 $0x1, s0  }
0xcb: {  	s11 =	sand.u32 $0x1, s30;
	p1 =	sne.s32 s0, $0x5;
	[sflag:s8] =	ssyncadd.s32 @!p0 $0xFFFFF800  }
0xcc: {  	[tilespmem:s4], [sflag:$0x1] =	stream.indirect.gather @!p0 [hbm4b:s1+s19], $0x80, s29, s19, $0xb8;
	[tilespmem:$0x1DC00] =	vst v63  }
0xcd: {  	s8 =	sshll.u32 s11, $0xB;
	p0 =	seq.s32 s30, $0x0;
	_ =	swait.ge [sflag:s26], $0x4000  }
0xce: {  	s4 =	simm.s32 @!p0 $0x4;
	[sflag:s26] =	ssyncset.done $0x0  }
0xcf: {  	s9 =	sor.u32 $0x1000, s9;
	[sflag:s26] =	ssyncadd.s32 $0xFFFFC000  }
0xd0: {  	[spmem:s5] =	stream.indirect.scatter.add.f32 [tilespmem:s23], [sflag:$0x4], $0x80, s9, s22, $0xb8;
	[tilespmem:$0x1DC00] =	vst v63  }
0xd1: {  	s9 =	sxor.u32 $0x1, s11;
	s11 =	sor.u32 $0x80, s8;
	_ =	swait.ge @!p0 [sflag:s4], $0x4000  }
0xd2: {  	[sflag:s4] =	ssyncset.done @!p0 $0x0  }
0xd3: {  	[sflag:s4] =	ssyncadd.s32 @!p0 $0xFFFFC000  }
0xd4: {  	[tilespmem:s23], [sflag:$0x2] =	stream.indirect.gather [hbm4b:s1+s22], $0x80, s11, s22, $0xb8;
	[tilespmem:$0x1DC00] =	vst v63  }
0xd5: {  	s4 =	sor.u32 $0x1000, s8;
	_ =	swait.ge [sflag:s24], $0x4000  }
0xd6: {  	p0 =	seq.s32 s30, $0x4;
	s30 =	smov.u32 s10;
	[sflag:s24] =	ssyncset.done $0x0  }
0xd7: {  	s10 =	sshrl.u32 @!p0 s31, $0x3;
	s12 =	simm.s32 @!p0 $0x0;
	[sflag:s24] =	ssyncadd.s32 $0xFFFFC000  }
0xd8: {  	[spmem:s5] =	stream.indirect.scatter.add.f32 [tilespmem:s17], [sflag:$0x3], $0x80, s4, s22, $0xb8;
	[tilespmem:$0x1DC00] =	vst v63  }
0xd9: {  	s29 =	sshll.u32 @!p0 s9, $0xB;
	s9 =	sadd.s32 @!p0 s3, s10;
	s4 =	sadd.s32 @!p0 s2, s10  }
0xda: {  	[tilespmem:s29], [sflag:$0x5] =	stream.linear.gather @!p0 [hbm4b:s4+s12], $0x800, $0x38;
	[tilespmem:$0x1DC00] =	vst v63  }
0xdb: {  	s19 =	simm.s32 @!p0 $0x80;
	s10 =	sor.u32 @!p0 $0x1000, s29;
	s4 =	simm.s32 @!p0 $0x2000  }
0xdc: {  	[tilespmem:s10], [sflag:$0x6] =	stream.linear.gather @!p0 [hbm4b:s9+s12], $0x800, $0x38;
	[tilespmem:$0x1DC00] =	vst v63  }
0xdd: {  	s9 =	sor.u32 $0x100, s8;
	_ =	swait.ge [sflag:s25], $0x4000  }
0xde: {  	[sflag:s25] =	ssyncset.done $0x0  }
0xdf: {  	[sflag:s25] =	ssyncadd.s32 $0xFFFFC000  }
0xe0: {  	[tilespmem:s17], [sflag:$0x1] =	stream.indirect.gather [hbm4b:s1+s22], $0x80, s9, s22, $0xb8;
	[tilespmem:$0x1DC00] =	vst v63  }
0xe1: {  	s9 =	sor.u32 $0x1000, s11;
	_ =	swait.ge [sflag:s26], $0x4000  }
0xe2: {  	[sflag:s26] =	ssyncset.done $0x0  }
0xe3: {  	[sflag:s26] =	ssyncadd.s32 $0xFFFFC000  }
0xe4: {  	[spmem:s5] =	stream.indirect.scatter.add.f32 [tilespmem:s23], [sflag:$0x4], $0x80, s9, s22, $0xb8;
	[tilespmem:$0x1DC00] =	vst v63  }
0xe5: {  	s9 =	sor.u32 $0x180, s8;
	_ =	swait.ge [sflag:s28], $0x4000  }
0xe6: {  	[sflag:s28] =	ssyncset.done $0x0  }
0xe7: {  	[sflag:s28] =	ssyncadd.s32 $0xFFFFC000  }
0xe8: {  	[tilespmem:s23], [sflag:$0x2] =	stream.indirect.gather [hbm4b:s1+s22], $0x80, s9, s22, $0xb8;
	[tilespmem:$0x1DC00] =	vst v63  }
0xe9: {  	s9 =	sor.u32 $0x1100, s8;
	_ =	swait.ge [sflag:s24], $0x4000  }
0xea: {  	[sflag:s24] =	ssyncset.done $0x0  }
0xeb: {  	[sflag:s24] =	ssyncadd.s32 $0xFFFFC000  }
0xec: {  	[spmem:s5] =	stream.indirect.scatter.add.f32 [tilespmem:s17], [sflag:$0x3], $0x80, s9, s22, $0xb8;
	[tilespmem:$0x1DC00] =	vst v63  }
0xed: {  	s9 =	sor.u32 $0x200, s8;
	_ =	swait.ge [sflag:s25], $0x4000  }
0xee: {  	[sflag:s25] =	ssyncset.done $0x0  }
0xef: {  	[sflag:s25] =	ssyncadd.s32 $0xFFFFC000  }
0xf0: {  	[tilespmem:s17], [sflag:$0x1] =	stream.indirect.gather [hbm4b:s1+s22], $0x80, s9, s22, $0xb8;
	[tilespmem:$0x1DC00] =	vst v63  }
0xf1: {  	s9 =	sor.u32 $0x1180, s8;
	_ =	swait.ge [sflag:s26], $0x4000  }
0xf2: {  	[sflag:s26] =	ssyncset.done $0x0  }
0xf3: {  	[sflag:s26] =	ssyncadd.s32 $0xFFFFC000  }
0xf4: {  	[spmem:s5] =	stream.indirect.scatter.add.f32 [tilespmem:s23], [sflag:$0x4], $0x80, s9, s22, $0xb8;
	[tilespmem:$0x1DC00] =	vst v63  }
0xf5: {  	s9 =	sor.u32 $0x280, s8;
	_ =	swait.ge [sflag:s28], $0x4000  }
0xf6: {  	[sflag:s28] =	ssyncset.done $0x0  }
0xf7: {  	[sflag:s28] =	ssyncadd.s32 $0xFFFFC000  }
0xf8: {  	[tilespmem:s23], [sflag:$0x2] =	stream.indirect.gather [hbm4b:s1+s22], $0x80, s9, s22, $0xb8;
	[tilespmem:$0x1DC00] =	vst v63  }
0xf9: {  	s9 =	sor.u32 $0x1200, s8;
	_ =	swait.ge [sflag:s24], $0x4000  }
0xfa: {  	[sflag:s24] =	ssyncset.done $0x0  }
0xfb: {  	[sflag:s24] =	ssyncadd.s32 $0xFFFFC000  }
0xfc: {  	[spmem:s5] =	stream.indirect.scatter.add.f32 [tilespmem:s17], [sflag:$0x3], $0x80, s9, s22, $0xb8;
	[tilespmem:$0x1DC00] =	vst v63  }
0xfd: {  	s9 =	sor.u32 $0x300, s8;
	_ =	swait.ge [sflag:s25], $0x4000  }
0xfe: {  	[sflag:s25] =	ssyncset.done $0x0  }
0xff: {  	[sflag:s25] =	ssyncadd.s32 $0xFFFFC000  }
0x100: {  	[tilespmem:s17], [sflag:$0x1] =	stream.indirect.gather [hbm4b:s1+s22], $0x80, s9, s22, $0xb8;
	[tilespmem:$0x1DC00] =	vst v63  }
0x101: {  	s9 =	sor.u32 $0x1280, s8;
	_ =	swait.ge [sflag:s26], $0x4000  }
0x102: {  	[sflag:s26] =	ssyncset.done $0x0  }
0x103: {  	[sflag:s26] =	ssyncadd.s32 $0xFFFFC000  }
0x104: {  	[spmem:s5] =	stream.indirect.scatter.add.f32 [tilespmem:s23], [sflag:$0x4], $0x80, s9, s22, $0xb8;
	[tilespmem:$0x1DC00] =	vst v63  }
0x105: {  	s9 =	sor.u32 $0x380, s8;
	_ =	swait.ge [sflag:s28], $0x4000  }
0x106: {  	[sflag:s28] =	ssyncset.done $0x0  }
0x107: {  	[sflag:s28] =	ssyncadd.s32 $0xFFFFC000  }
0x108: {  	[tilespmem:s23], [sflag:$0x2] =	stream.indirect.gather [hbm4b:s1+s22], $0x80, s9, s22, $0xb8;
	[tilespmem:$0x1DC00] =	vst v63  }
0x109: {  	s9 =	sor.u32 $0x1300, s8;
	_ =	swait.ge [sflag:s24], $0x4000  }
0x10a: {  	[sflag:s24] =	ssyncset.done $0x0  }
0x10b: {  	[sflag:s24] =	ssyncadd.s32 $0xFFFFC000  }
0x10c: {  	[spmem:s5] =	stream.indirect.scatter.add.f32 [tilespmem:s17], [sflag:$0x3], $0x80, s9, s22, $0xb8;
	[tilespmem:$0x1DC00] =	vst v63  }
0x10d: {  	s9 =	sor.u32 $0x400, s8;
	_ =	swait.ge [sflag:s25], $0x4000  }
0x10e: {  	[sflag:s25] =	ssyncset.done $0x0  }
0x10f: {  	[sflag:s25] =	ssyncadd.s32 $0xFFFFC000  }
0x110: {  	[tilespmem:s17], [sflag:$0x1] =	stream.indirect.gather [hbm4b:s1+s22], $0x80, s9, s22, $0xb8;
	[tilespmem:$0x1DC00] =	vst v63  }
0x111: {  	s9 =	sor.u32 $0x1380, s8;
	_ =	swait.ge [sflag:s26], $0x4000  }
0x112: {  	[sflag:s26] =	ssyncset.done $0x0  }
0x113: {  	[sflag:s26] =	ssyncadd.s32 $0xFFFFC000  }
0x114: {  	[spmem:s5] =	stream.indirect.scatter.add.f32 [tilespmem:s23], [sflag:$0x4], $0x80, s9, s22, $0xb8;
	[tilespmem:$0x1DC00] =	vst v63  }
0x115: {  	s9 =	sor.u32 $0x480, s8;
	_ =	swait.ge [sflag:s28], $0x4000  }
0x116: {  	[sflag:s28] =	ssyncset.done $0x0  }
0x117: {  	[sflag:s28] =	ssyncadd.s32 $0xFFFFC000  }
0x118: {  	[tilespmem:s23], [sflag:$0x2] =	stream.indirect.gather [hbm4b:s1+s22], $0x80, s9, s22, $0xb8;
	[tilespmem:$0x1DC00] =	vst v63  }
0x119: {  	s9 =	sor.u32 $0x1400, s8;
	_ =	swait.ge [sflag:s24], $0x4000  }
0x11a: {  	[sflag:s24] =	ssyncset.done $0x0  }
0x11b: {  	[sflag:s24] =	ssyncadd.s32 $0xFFFFC000  }
0x11c: {  	[spmem:s5] =	stream.indirect.scatter.add.f32 [tilespmem:s17], [sflag:$0x3], $0x80, s9, s22, $0xb8;
	[tilespmem:$0x1DC00] =	vst v63  }
0x11d: {  	s9 =	sor.u32 $0x500, s8;
	_ =	swait.ge [sflag:s25], $0x4000  }
0x11e: {  	[sflag:s25] =	ssyncset.done $0x0  }
0x11f: {  	[sflag:s25] =	ssyncadd.s32 $0xFFFFC000  }
0x120: {  	[tilespmem:s17], [sflag:$0x1] =	stream.indirect.gather [hbm4b:s1+s22], $0x80, s9, s22, $0xb8;
	[tilespmem:$0x1DC00] =	vst v63  }
0x121: {  	s9 =	sor.u32 $0x1480, s8;
	_ =	swait.ge [sflag:s26], $0x4000  }
0x122: {  	[sflag:s26] =	ssyncset.done $0x0  }
0x123: {  	[sflag:s26] =	ssyncadd.s32 $0xFFFFC000  }
0x124: {  	[spmem:s5] =	stream.indirect.scatter.add.f32 [tilespmem:s23], [sflag:$0x4], $0x80, s9, s22, $0xb8;
	[tilespmem:$0x1DC00] =	vst v63  }
0x125: {  	s9 =	sor.u32 $0x580, s8;
	_ =	swait.ge [sflag:s28], $0x4000  }
0x126: {  	[sflag:s28] =	ssyncset.done $0x0  }
0x127: {  	[sflag:s28] =	ssyncadd.s32 $0xFFFFC000  }
0x128: {  	[tilespmem:s23], [sflag:$0x2] =	stream.indirect.gather [hbm4b:s1+s22], $0x80, s9, s22, $0xb8;
	[tilespmem:$0x1DC00] =	vst v63  }
0x129: {  	s9 =	sor.u32 $0x1500, s8;
	_ =	swait.ge [sflag:s24], $0x4000  }
0x12a: {  	[sflag:s24] =	ssyncset.done $0x0  }
0x12b: {  	[sflag:s24] =	ssyncadd.s32 $0xFFFFC000  }
0x12c: {  	[spmem:s5] =	stream.indirect.scatter.add.f32 [tilespmem:s17], [sflag:$0x3], $0x80, s9, s22, $0xb8;
	[tilespmem:$0x1DC00] =	vst v63  }
0x12d: {  	s9 =	sor.u32 $0x600, s8;
	_ =	swait.ge [sflag:s25], $0x4000  }
0x12e: {  	[sflag:s25] =	ssyncset.done $0x0  }
0x12f: {  	[sflag:s25] =	ssyncadd.s32 $0xFFFFC000  }
0x130: {  	[tilespmem:s17], [sflag:$0x1] =	stream.indirect.gather [hbm4b:s1+s22], $0x80, s9, s22, $0xb8;
	[tilespmem:$0x1DC00] =	vst v63  }
0x131: {  	s9 =	sor.u32 $0x1580, s8;
	_ =	swait.ge [sflag:s26], $0x4000  }
0x132: {  	[sflag:s26] =	ssyncset.done $0x0  }
0x133: {  	[sflag:s26] =	ssyncadd.s32 $0xFFFFC000  }
0x134: {  	[spmem:s5] =	stream.indirect.scatter.add.f32 [tilespmem:s23], [sflag:$0x4], $0x80, s9, s22, $0xb8;
	[tilespmem:$0x1DC00] =	vst v63  }
0x135: {  	s9 =	sor.u32 $0x680, s8;
	_ =	swait.ge [sflag:s28], $0x4000  }
0x136: {  	[sflag:s28] =	ssyncset.done $0x0  }
0x137: {  	[sflag:s28] =	ssyncadd.s32 $0xFFFFC000  }
0x138: {  	[tilespmem:s23], [sflag:$0x2] =	stream.indirect.gather [hbm4b:s1+s22], $0x80, s9, s22, $0xb8;
	[tilespmem:$0x1DC00] =	vst v63  }
0x139: {  	s9 =	sor.u32 $0x1600, s8;
	_ =	swait.ge [sflag:s24], $0x4000  }
0x13a: {  	[sflag:s24] =	ssyncset.done $0x0  }
0x13b: {  	[sflag:s24] =	ssyncadd.s32 $0xFFFFC000  }
0x13c: {  	[spmem:s5] =	stream.indirect.scatter.add.f32 [tilespmem:s17], [sflag:$0x3], $0x80, s9, s22, $0xb8;
	[tilespmem:$0x1DC00] =	vst v63  }
0x13d: {  	s9 =	sor.u32 $0x700, s8;
	_ =	swait.ge [sflag:s25], $0x4000  }
0x13e: {  	[sflag:s25] =	ssyncset.done $0x0  }
0x13f: {  	[sflag:s25] =	ssyncadd.s32 $0xFFFFC000  }
0x140: {  	[tilespmem:s17], [sflag:$0x1] =	stream.indirect.gather [hbm4b:s1+s22], $0x80, s9, s22, $0xb8;
	[tilespmem:$0x1DC00] =	vst v63  }
0x141: {  	s9 =	sor.u32 $0x1680, s8;
	_ =	swait.ge [sflag:s26], $0x4000  }
0x142: {  	[sflag:s26] =	ssyncset.done $0x0  }
0x143: {  	[sflag:s26] =	ssyncadd.s32 $0xFFFFC000  }
0x144: {  	[spmem:s5] =	stream.indirect.scatter.add.f32 [tilespmem:s23], [sflag:$0x4], $0x80, s9, s22, $0xb8;
	[tilespmem:$0x1DC00] =	vst v63  }
0x145: {  	s9 =	sor.u32 $0x780, s8;
	_ =	swait.ge [sflag:s28], $0x4000  }
0x146: {  	[sflag:s28] =	ssyncset.done $0x0  }
0x147: {  	[sflag:s28] =	ssyncadd.s32 $0xFFFFC000  }
0x148: {  	[tilespmem:s23], [sflag:$0x2] =	stream.indirect.gather [hbm4b:s1+s22], $0x80, s9, s22, $0xb8;
	[tilespmem:$0x1DC00] =	vst v63  }
0x149: {  	s8 =	sor.u32 $0x1700, s8;
	_ =	swait.ge [sflag:s24], $0x4000  }
0x14a: {  	[sflag:s24] =	ssyncset.done $0x0  }
0x14b: {  	s10 =	simm.s32 @!p0 $0x3;
	[sflag:s24] =	ssyncadd.s32 $0xFFFFC000  }
0x14c: {  	[spmem:s5] =	stream.indirect.scatter.add.f32 [tilespmem:s17], [sflag:$0x3], $0x80, s8, s22, $0xb8;
	[tilespmem:$0x1DC00] =	vst v63  }
0x14d: {  	_ =	swait.ge @!p0 [sflag:s10], $0x4000  }
0x14e: {  	s11 =	simm.s32 @!p0 $0x5;
	[sflag:s10] =	ssyncset.done @!p0 $0x0  }
.Ltmp1:
0x14f: {  	[sflag:s10] =	ssyncadd.s32 @!p0 $0xFFFFC000;
	(pc) =	sbr.rel @p1 .LBB2_4-.Ltmp1, $4  }
0x150: {  	_ =	swait.ge @!p0 [sflag:s11], $0x800  }
0x151: {  	s8 =	simm.s32 @!p0 $0x6;
	[sflag:s11] =	ssyncset.done @!p0 $0x0  }
0x152: {  	[sflag:s11] =	ssyncadd.s32 @!p0 $0xFFFFF800  }
0x153: {  	_ =	swait.ge @!p0 [sflag:s8], $0x800  }
0x154: {  	[sflag:s8] =	ssyncset.done @!p0 $0x0  }
0x155: {  	[sflag:s8] =	ssyncadd.s32 @!p0 $0xFFFFF800  }
0x156: {  	[tilespmem:s4], [sflag:$0x1] =	stream.indirect.gather @!p0 [hbm4b:s1+s19], $0x80, s29, s19, $0xb8;
	[tilespmem:$0x1DC00] =	vst v63  }
0x157: {  	_ =	swait.ge [sflag:s26], $0x4000  }
0x158: {  	p0 =	seq.s32 s30, $0x0;
	[sflag:s26] =	ssyncset.done $0x0  }
0x159: {  	s12 =	sor.u32 $0x1000, s9;
	s0 =	simm.s32 @!p0 $0x4;
	[sflag:s26] =	ssyncadd.s32 $0xFFFFC000  }
0x15a: {  	[spmem:s5] =	stream.indirect.scatter.add.f32 [tilespmem:s23], [sflag:$0x4], $0x80, s12, s22, $0xb8;
	[tilespmem:$0x1DC00] =	vst v63  }
0x15b: {  	s19 =	sand.u32 $0x1, s30;
	_ =	swait.ge @!p0 [sflag:s0], $0x4000  }
0x15c: {  	s4 =	sshll.u32 s19, $0xB;
	[sflag:s0] =	ssyncset.done @!p0 $0x0  }
0x15d: {  	s29 =	sor.u32 $0x80, s4;
	[sflag:s0] =	ssyncadd.s32 @!p0 $0xFFFFC000  }
0x15e: {  	[tilespmem:s23], [sflag:$0x2] =	stream.indirect.gather [hbm4b:s1+s22], $0x80, s29, s22, $0xb8;
	[tilespmem:$0x1DC00] =	vst v63  }
0x15f: {  	s8 =	sxor.u32 $0x1, s19;
	_ =	swait.ge [sflag:s24], $0x4000  }
0x160: {  	s0 =	sadd.s32 $0x800, s31;
	p0 =	seq.s32 s30, $0x4;
	[sflag:s24] =	ssyncset.done $0x0  }
0x161: {  	s10 =	sor.u32 $0x1000, s4;
	s11 =	sshrl.u32 @!p0 s0, $0x3;
	[sflag:s24] =	ssyncadd.s32 $0xFFFFC000  }
0x162: {  	[spmem:s5] =	stream.indirect.scatter.add.f32 [tilespmem:s17], [sflag:$0x3], $0x80, s10, s22, $0xb8;
	[tilespmem:$0x1DC00] =	vst v63  }
0x163: {  	s0 =	sshll.u32 @!p0 s8, $0xB;
	s8 =	sadd.s32 @!p0 s2, s11;
	s10 =	simm.s32 @!p0 $0x0  }
0x164: {  	[tilespmem:s0], [sflag:$0x5] =	stream.linear.gather @!p0 [hbm4b:s8+s10], $0x800, $0x38;
	[tilespmem:$0x1DC00] =	vst v63  }
0x165: {  	s8 =	sadd.s32 @!p0 s3, s11;
	s11 =	sor.u32 @!p0 $0x1000, s0  }
0x166: {  	[tilespmem:s11], [sflag:$0x6] =	stream.linear.gather @!p0 [hbm4b:s8+s10], $0x800, $0x38;
	[tilespmem:$0x1DC00] =	vst v63  }
0x167: {  	_ =	swait.ge [sflag:s25], $0x4000  }
0x168: {  	[sflag:s25] =	ssyncset.done $0x0  }
0x169: {  	s11 =	sor.u32 $0x100, s4;
	[sflag:s25] =	ssyncadd.s32 $0xFFFFC000  }
0x16a: {  	[tilespmem:s17], [sflag:$0x1] =	stream.indirect.gather [hbm4b:s1+s22], $0x80, s11, s22, $0xb8;
	[tilespmem:$0x1DC00] =	vst v63  }
0x16b: {  	_ =	swait.ge [sflag:s26], $0x4000  }
0x16c: {  	[sflag:s26] =	ssyncset.done $0x0  }
0x16d: {  	s12 =	sor.u32 $0x1000, s29;
	[sflag:s26] =	ssyncadd.s32 $0xFFFFC000  }
0x16e: {  	[spmem:s5] =	stream.indirect.scatter.add.f32 [tilespmem:s23], [sflag:$0x4], $0x80, s12, s22, $0xb8;
	[tilespmem:$0x1DC00] =	vst v63  }
0x16f: {  	_ =	swait.ge [sflag:s28], $0x4000  }
0x170: {  	[sflag:s28] =	ssyncset.done $0x0  }
0x171: {  	s19 =	sor.u32 $0x180, s4;
	[sflag:s28] =	ssyncadd.s32 $0xFFFFC000  }
0x172: {  	[tilespmem:s23], [sflag:$0x2] =	stream.indirect.gather [hbm4b:s1+s22], $0x80, s19, s22, $0xb8;
	[tilespmem:$0x1DC00] =	vst v63  }
0x173: {  	_ =	swait.ge [sflag:s24], $0x4000  }
0x174: {  	[sflag:s24] =	ssyncset.done $0x0  }
0x175: {  	s29 =	sor.u32 $0x1100, s4;
	[sflag:s24] =	ssyncadd.s32 $0xFFFFC000  }
0x176: {  	[spmem:s5] =	stream.indirect.scatter.add.f32 [tilespmem:s17], [sflag:$0x3], $0x80, s29, s22, $0xb8;
	[tilespmem:$0x1DC00] =	vst v63  }
0x177: {  	_ =	swait.ge [sflag:s25], $0x4000  }
0x178: {  	[sflag:s25] =	ssyncset.done $0x0  }
0x179: {  	s30 =	sor.u32 $0x200, s4;
	[sflag:s25] =	ssyncadd.s32 $0xFFFFC000  }
0x17a: {  	[tilespmem:s17], [sflag:$0x1] =	stream.indirect.gather [hbm4b:s1+s22], $0x80, s30, s22, $0xb8;
	[tilespmem:$0x1DC00] =	vst v63  }
0x17b: {  	_ =	swait.ge [sflag:s26], $0x4000  }
0x17c: {  	[sflag:s26] =	ssyncset.done $0x0  }
0x17d: {  	s31 =	sor.u32 $0x1180, s4;
	[sflag:s26] =	ssyncadd.s32 $0xFFFFC000  }
0x17e: {  	[spmem:s5] =	stream.indirect.scatter.add.f32 [tilespmem:s23], [sflag:$0x4], $0x80, s31, s22, $0xb8;
	[tilespmem:$0x1DC00] =	vst v63  }
0x17f: {  	_ =	swait.ge [sflag:s28], $0x4000  }
0x180: {  	[sflag:s28] =	ssyncset.done $0x0  }
0x181: {  	s9 =	sor.u32 $0x280, s4;
	[sflag:s28] =	ssyncadd.s32 $0xFFFFC000  }
0x182: {  	[tilespmem:s23], [sflag:$0x2] =	stream.indirect.gather [hbm4b:s1+s22], $0x80, s9, s22, $0xb8;
	[tilespmem:$0x1DC00] =	vst v63  }
0x183: {  	_ =	swait.ge [sflag:s24], $0x4000  }
0x184: {  	[sflag:s24] =	ssyncset.done $0x0  }
0x185: {  	s10 =	sor.u32 $0x1200, s4;
	[sflag:s24] =	ssyncadd.s32 $0xFFFFC000  }
0x186: {  	[spmem:s5] =	stream.indirect.scatter.add.f32 [tilespmem:s17], [sflag:$0x3], $0x80, s10, s22, $0xb8;
	[tilespmem:$0x1DC00] =	vst v63  }
0x187: {  	_ =	swait.ge [sflag:s25], $0x4000  }
0x188: {  	[sflag:s25] =	ssyncset.done $0x0  }
0x189: {  	s11 =	sor.u32 $0x300, s4;
	[sflag:s25] =	ssyncadd.s32 $0xFFFFC000  }
0x18a: {  	[tilespmem:s17], [sflag:$0x1] =	stream.indirect.gather [hbm4b:s1+s22], $0x80, s11, s22, $0xb8;
	[tilespmem:$0x1DC00] =	vst v63  }
0x18b: {  	_ =	swait.ge [sflag:s26], $0x4000  }
0x18c: {  	[sflag:s26] =	ssyncset.done $0x0  }
0x18d: {  	s12 =	sor.u32 $0x1280, s4;
	[sflag:s26] =	ssyncadd.s32 $0xFFFFC000  }
0x18e: {  	[spmem:s5] =	stream.indirect.scatter.add.f32 [tilespmem:s23], [sflag:$0x4], $0x80, s12, s22, $0xb8;
	[tilespmem:$0x1DC00] =	vst v63  }
0x18f: {  	_ =	swait.ge [sflag:s28], $0x4000  }
0x190: {  	[sflag:s28] =	ssyncset.done $0x0  }
0x191: {  	s19 =	sor.u32 $0x380, s4;
	[sflag:s28] =	ssyncadd.s32 $0xFFFFC000  }
0x192: {  	[tilespmem:s23], [sflag:$0x2] =	stream.indirect.gather [hbm4b:s1+s22], $0x80, s19, s22, $0xb8;
	[tilespmem:$0x1DC00] =	vst v63  }
0x193: {  	_ =	swait.ge [sflag:s24], $0x4000  }
0x194: {  	[sflag:s24] =	ssyncset.done $0x0  }
0x195: {  	s29 =	sor.u32 $0x1300, s4;
	[sflag:s24] =	ssyncadd.s32 $0xFFFFC000  }
0x196: {  	[spmem:s5] =	stream.indirect.scatter.add.f32 [tilespmem:s17], [sflag:$0x3], $0x80, s29, s22, $0xb8;
	[tilespmem:$0x1DC00] =	vst v63  }
0x197: {  	_ =	swait.ge [sflag:s25], $0x4000  }
0x198: {  	[sflag:s25] =	ssyncset.done $0x0  }
0x199: {  	s30 =	sor.u32 $0x400, s4;
	[sflag:s25] =	ssyncadd.s32 $0xFFFFC000  }
0x19a: {  	[tilespmem:s17], [sflag:$0x1] =	stream.indirect.gather [hbm4b:s1+s22], $0x80, s30, s22, $0xb8;
	[tilespmem:$0x1DC00] =	vst v63  }
0x19b: {  	_ =	swait.ge [sflag:s26], $0x4000  }
0x19c: {  	[sflag:s26] =	ssyncset.done $0x0  }
0x19d: {  	s31 =	sor.u32 $0x1380, s4;
	[sflag:s26] =	ssyncadd.s32 $0xFFFFC000  }
0x19e: {  	[spmem:s5] =	stream.indirect.scatter.add.f32 [tilespmem:s23], [sflag:$0x4], $0x80, s31, s22, $0xb8;
	[tilespmem:$0x1DC00] =	vst v63  }
0x19f: {  	_ =	swait.ge [sflag:s28], $0x4000  }
0x1a0: {  	[sflag:s28] =	ssyncset.done $0x0  }
0x1a1: {  	s9 =	sor.u32 $0x480, s4;
	[sflag:s28] =	ssyncadd.s32 $0xFFFFC000  }
0x1a2: {  	[tilespmem:s23], [sflag:$0x2] =	stream.indirect.gather [hbm4b:s1+s22], $0x80, s9, s22, $0xb8;
	[tilespmem:$0x1DC00] =	vst v63  }
0x1a3: {  	_ =	swait.ge [sflag:s24], $0x4000  }
0x1a4: {  	[sflag:s24] =	ssyncset.done $0x0  }
0x1a5: {  	s10 =	sor.u32 $0x1400, s4;
	[sflag:s24] =	ssyncadd.s32 $0xFFFFC000  }
0x1a6: {  	[spmem:s5] =	stream.indirect.scatter.add.f32 [tilespmem:s17], [sflag:$0x3], $0x80, s10, s22, $0xb8;
	[tilespmem:$0x1DC00] =	vst v63  }
0x1a7: {  	_ =	swait.ge [sflag:s25], $0x4000  }
0x1a8: {  	[sflag:s25] =	ssyncset.done $0x0  }
0x1a9: {  	s11 =	sor.u32 $0x500, s4;
	[sflag:s25] =	ssyncadd.s32 $0xFFFFC000  }
0x1aa: {  	[tilespmem:s17], [sflag:$0x1] =	stream.indirect.gather [hbm4b:s1+s22], $0x80, s11, s22, $0xb8;
	[tilespmem:$0x1DC00] =	vst v63  }
0x1ab: {  	_ =	swait.ge [sflag:s26], $0x4000  }
0x1ac: {  	[sflag:s26] =	ssyncset.done $0x0  }
0x1ad: {  	s12 =	sor.u32 $0x1480, s4;
	[sflag:s26] =	ssyncadd.s32 $0xFFFFC000  }
0x1ae: {  	[spmem:s5] =	stream.indirect.scatter.add.f32 [tilespmem:s23], [sflag:$0x4], $0x80, s12, s22, $0xb8;
	[tilespmem:$0x1DC00] =	vst v63  }
0x1af: {  	_ =	swait.ge [sflag:s28], $0x4000  }
0x1b0: {  	[sflag:s28] =	ssyncset.done $0x0  }
0x1b1: {  	s19 =	sor.u32 $0x580, s4;
	[sflag:s28] =	ssyncadd.s32 $0xFFFFC000  }
0x1b2: {  	[tilespmem:s23], [sflag:$0x2] =	stream.indirect.gather [hbm4b:s1+s22], $0x80, s19, s22, $0xb8;
	[tilespmem:$0x1DC00] =	vst v63  }
0x1b3: {  	_ =	swait.ge [sflag:s24], $0x4000  }
0x1b4: {  	[sflag:s24] =	ssyncset.done $0x0  }
0x1b5: {  	s29 =	sor.u32 $0x1500, s4;
	[sflag:s24] =	ssyncadd.s32 $0xFFFFC000  }
0x1b6: {  	[spmem:s5] =	stream.indirect.scatter.add.f32 [tilespmem:s17], [sflag:$0x3], $0x80, s29, s22, $0xb8;
	[tilespmem:$0x1DC00] =	vst v63  }
0x1b7: {  	_ =	swait.ge [sflag:s25], $0x4000  }
0x1b8: {  	[sflag:s25] =	ssyncset.done $0x0  }
0x1b9: {  	s30 =	sor.u32 $0x600, s4;
	[sflag:s25] =	ssyncadd.s32 $0xFFFFC000  }
0x1ba: {  	[tilespmem:s17], [sflag:$0x1] =	stream.indirect.gather [hbm4b:s1+s22], $0x80, s30, s22, $0xb8;
	[tilespmem:$0x1DC00] =	vst v63  }
0x1bb: {  	_ =	swait.ge [sflag:s26], $0x4000  }
0x1bc: {  	[sflag:s26] =	ssyncset.done $0x0  }
0x1bd: {  	s31 =	sor.u32 $0x1580, s4;
	[sflag:s26] =	ssyncadd.s32 $0xFFFFC000  }
0x1be: {  	[spmem:s5] =	stream.indirect.scatter.add.f32 [tilespmem:s23], [sflag:$0x4], $0x80, s31, s22, $0xb8;
	[tilespmem:$0x1DC00] =	vst v63  }
0x1bf: {  	_ =	swait.ge [sflag:s28], $0x4000  }
0x1c0: {  	[sflag:s28] =	ssyncset.done $0x0  }
0x1c1: {  	s9 =	sor.u32 $0x680, s4;
	[sflag:s28] =	ssyncadd.s32 $0xFFFFC000  }
0x1c2: {  	[tilespmem:s23], [sflag:$0x2] =	stream.indirect.gather [hbm4b:s1+s22], $0x80, s9, s22, $0xb8;
	[tilespmem:$0x1DC00] =	vst v63  }
0x1c3: {  	_ =	swait.ge [sflag:s24], $0x4000  }
0x1c4: {  	[sflag:s24] =	ssyncset.done $0x0  }
0x1c5: {  	s10 =	sor.u32 $0x1600, s4;
	[sflag:s24] =	ssyncadd.s32 $0xFFFFC000  }
0x1c6: {  	[spmem:s5] =	stream.indirect.scatter.add.f32 [tilespmem:s17], [sflag:$0x3], $0x80, s10, s22, $0xb8;
	[tilespmem:$0x1DC00] =	vst v63  }
0x1c7: {  	_ =	swait.ge [sflag:s25], $0x4000  }
0x1c8: {  	[sflag:s25] =	ssyncset.done $0x0  }
0x1c9: {  	s11 =	sor.u32 $0x700, s4;
	[sflag:s25] =	ssyncadd.s32 $0xFFFFC000  }
0x1ca: {  	[tilespmem:s17], [sflag:$0x1] =	stream.indirect.gather [hbm4b:s1+s22], $0x80, s11, s22, $0xb8;
	[tilespmem:$0x1DC00] =	vst v63  }
0x1cb: {  	_ =	swait.ge [sflag:s26], $0x4000  }
0x1cc: {  	[sflag:s26] =	ssyncset.done $0x0  }
0x1cd: {  	s12 =	sor.u32 $0x1680, s4;
	[sflag:s26] =	ssyncadd.s32 $0xFFFFC000  }
0x1ce: {  	[spmem:s5] =	stream.indirect.scatter.add.f32 [tilespmem:s23], [sflag:$0x4], $0x80, s12, s22, $0xb8;
	[tilespmem:$0x1DC00] =	vst v63  }
0x1cf: {  	_ =	swait.ge [sflag:s28], $0x4000  }
0x1d0: {  	[sflag:s28] =	ssyncset.done $0x0  }
0x1d1: {  	s19 =	sor.u32 $0x780, s4;
	[sflag:s28] =	ssyncadd.s32 $0xFFFFC000  }
0x1d2: {  	[tilespmem:s23], [sflag:$0x2] =	stream.indirect.gather [hbm4b:s1+s22], $0x80, s19, s22, $0xb8;
	[tilespmem:$0x1DC00] =	vst v63  }
0x1d3: {  	_ =	swait.ge [sflag:s24], $0x4000  }
0x1d4: {  	[sflag:s24] =	ssyncset.done $0x0  }
0x1d5: {  	s4 =	sor.u32 $0x1700, s4;
	s9 =	simm.s32 @!p0 $0x3;
	[sflag:s24] =	ssyncadd.s32 $0xFFFFC000  }
0x1d6: {  	[spmem:s5] =	stream.indirect.scatter.add.f32 [tilespmem:s17], [sflag:$0x3], $0x80, s4, s22, $0xb8;
	[tilespmem:$0x1DC00] =	vst v63  }
0x1d7: {  	_ =	swait.ge @!p0 [sflag:s9], $0x4000  }
0x1d8: {  	[sflag:s9] =	ssyncset.done @!p0 $0x0  }
0x1d9: {  	s4 =	simm.s32 @!p0 $0x5;
	[sflag:s9] =	ssyncadd.s32 @!p0 $0xFFFFC000  }
0x1da: {  	_ =	swait.ge @!p0 [sflag:s4], $0x800  }
0x1db: {  	[sflag:s4] =	ssyncset.done @!p0 $0x0  }
0x1dc: {  	s9 =	simm.s32 @!p0 $0x6;
	[sflag:s4] =	ssyncadd.s32 @!p0 $0xFFFFF800  }
0x1dd: {  	_ =	swait.ge @!p0 [sflag:s9], $0x800  }
0x1de: {  	[sflag:s9] =	ssyncset.done @!p0 $0x0  }
0x1df: {  	s10 =	simm.s32 @!p0 $0x2000;
	s4 =	simm.s32 @!p0 $0x80;
	[sflag:s9] =	ssyncadd.s32 @!p0 $0xFFFFF800  }
0x1e0: {  	[tilespmem:s10], [sflag:$0x1] =	stream.indirect.gather @!p0 [hbm4b:s1+s4], $0x80, s0, s4, $0xb8;
	[tilespmem:$0x1DC00] =	vst v63  }
0x1e1: {  	_ =	swait.ge [sflag:s26], $0x4000  }
0x1e2: {  	[sflag:s26] =	ssyncset.done $0x0  }
0x1e3: {  	s29 =	sor.u32 $0x1000, s19;
	[sflag:s26] =	ssyncadd.s32 $0xFFFFC000  }
0x1e4: {  	[spmem:s5] =	stream.indirect.scatter.add.f32 [tilespmem:s23], [sflag:$0x4], $0x80, s29, s22, $0xb8;
	[tilespmem:$0x1DC00] =	vst v63  }
0x1e5: {  	_ =	swait.ge [sflag:s25], $0x4000  }
0x1e6: {  	[sflag:s25] =	ssyncset.done $0x0  }
0x1e7: {  	[sflag:s25] =	ssyncadd.s32 $0xFFFFC000  }
0x1e8: {  	s6 =	sadd.s32 $0x1, s6;
	_ =	swait.ge [sflag:s28], $0x4000  }
0x1e9: {  	s30 =	stileid.u32;
	s31 =	sshrl.u32 s7, $0x3;
	[sflag:s28] =	ssyncset.done $0x0  }
0x1ea: {  	s0 =	sshll.u32 s30, $0x6;
	p0 =	sne.s32 s6, s15;
	[sflag:s28] =	ssyncadd.s32 $0xFFFFC000  }
.Ltmp2:
0x1eb: {  	s0 =	sor.u32 $0x1C07, s0;
	[bflag:$0x0] =	sbarrier.arrive $0xFFFF;
	(pc) =	sbr.rel @p0 .LBB2_1-.Ltmp2, $4  }
0x1ec: {  	[hbm:s14], [sflag:s0] =	dma.local [spmem:s31], $0x2780  }
0x1ed: {  	_ =	swait.ge [sflag:s18], $0x2780  }
0x1ee: {  	[sflag:s18] =	ssyncset.done $0x0  }
0x1ef: {  	[sflag:s18] =	ssyncadd.s32 $0xFFFFD880  }
0x1f0: {  	_ =	sfence.sel $0x180000  }
0x1f1: {  	[bflag:$0x0] =	sbarrier.arrive $0xFFFF  }
0x1f2: {  	_ =	strace $0x90000047  }
0x1f3: {  	s0 =	stileid.u32;
	[bflag:$0x2] =	sbarrier.arrive $0xFFFF  }
0x1f4: {  	p0 =	sne.s32 s0, $0x0;
	s0 =	rddreg [dreg:$0x5]  }
0x1f5: {  	s0 =	sadd.s32 @!p0 $0x100000, s0  }
0x1f6: {  	[sflag:s0] =	ssyncadd.tile.s32 @!p0 $0x1;
	_ =	shalt  }
.Lfunc_end2:
_tile_overlayer_lowered:
.L_overlay_start_2:
0x1f7: {  	(tag) =	ssettag $0x2  }
0x1f8: {  	s0 =	rddreg [dreg:$0x0];
	s2 =	stileid.u32  }
0x1f9: {  	s1 =	rddreg [dreg:$0x1];
	p0 =	sne.s32 s2, $0x0  }
0x1fa: {  	s3 =	rddreg [dreg:$0x2];
	[bflag:$0x3] =	sbarrier.arrive $0xFFFF;
	s2 =	simm.s32 @!p0 $0x1C07  }
0x1fb: {  	[timem:s3], [sflag:s2] =	dma.local @!p0 [hbm:s0], s1  }
0x1fc: {  	s0 =	simm.s32 @!p0 $0x7  }
0x1fd: {  	_ =	swait.ge @!p0 [sflag:s0], s1  }
0x1fe: {  	s1 =	ssub.s32 @!p0 $0x0, s1;
	[sflag:s0] =	ssyncset.done @!p0 $0x0  }
0x1ff: {  	[sflag:s0] =	ssyncadd.s32 @!p0 s1  }
0x200: {  	[bflag:$0x3] =	sbarrier.arrive $0xFFFF  }
0x201: {  	_ =	shalt  }

</sc_bundles>
